<compile_context>
chip_gen: v7x
topology: tpu7x:2x2x1
jax: 0.10.2.dev20260603
libtpu: 0.0.44.dev20260713+nightly
codegen_flags: <defaults>
</compile_context>

<pallas_src>
import functools

import jax
import jax.numpy as jnp
from jax import lax
from jax.experimental import pallas as pl
from jax.experimental.pallas import tpu as pltpu
from jax.experimental.pallas import tpu_sc as plsc

BS, SEQ, IN_DIM, EMB = 4, 4096, 512, 1024
HID = EMB // 2
KK = max(1, int((SEQ - 2) * 0.3))
KPAD = 1280
PT = KPAD // 8
ROWS = BS * KPAD
NCH = SEQ // 16
NDMA = 4
CR = PT // NDMA


def _sc_body(text_hbm, feat_hbm, out_hbm, lens_hbm,
             trow, idxbuf, rowsa, rowsb, nzv, sema, semb):
    c = lax.axis_index("c")
    sub = lax.axis_index("s")
    wid = 16 * c + sub
    b = wid // 8
    s = wid % 8
    lo = s * PT
    dstbase = b * KPAD + lo

    pltpu.sync_copy(text_hbm.at[pl.ds(b * SEQ, SEQ)], trow)

    lane = lax.iota(jnp.int32, 16)

    def abody(i, zt):
        t = trow[pl.ds(i * 16, 16)]
        return zt + plsc.all_reduce_population_count(t == 0)
    z_total = lax.fori_loop(0, NCH, abody, jnp.zeros((16,), jnp.int32))

    @pl.when(s == 0)
    def _():
        nzv[...] = z_total
        pltpu.sync_copy(nzv, lens_hbm.at[b])

    lo_vec = jnp.full((16,), lo, jnp.int32)
    src_base = jnp.full((16,), b * SEQ, jnp.int32) + lane

    def bbody(i, z_run):
        t = trow[pl.ds(i * 16, 16)]
        zb = t == 0
        zc = plsc.cumsum(zb.astype(jnp.int32))
        pos = i * 16 + lane
        rank = jnp.where(zb, z_run + zc,
                         z_total + pos + 1 - z_run - zc) - 1
        slot = rank - lo_vec
        m = (slot >= 0) & (slot < PT)
        srcv = src_base + i * 16
        plsc.store_scatter(idxbuf, [jnp.clip(slot, 0, PT - 1)], srcv, mask=m)
        return z_run + plsc.all_reduce_population_count(zb)

    zt0 = z_total[0]
    chunk_end = jnp.minimum(NCH, (lo + PT + zt0 + 15) // 16)
    z_run1 = lax.fori_loop(0, chunk_end, bbody, jnp.zeros((16,), jnp.int32))

    @pl.when(zt0 > lo)
    def _():
        lax.fori_loop(chunk_end, NCH, bbody, z_run1)

    bufs = (rowsa, rowsb)
    sems = (sema, semb)
    copies = []
    for j in range(NDMA):
        copies.append(pltpu.make_async_copy(
            feat_hbm.at[idxbuf.at[pl.ds(j * CR, CR)]], bufs[j % 2],
            sems[j % 2]))
    copies[0].start()
    for j in range(NDMA):
        if j + 1 < NDMA:
            copies[j + 1].start()
        copies[j].wait()
        pltpu.sync_copy(bufs[j % 2], out_hbm.at[pl.ds(dstbase + j * CR, CR)])


@functools.partial(
    pl.kernel,
    mesh=plsc.VectorSubcoreMesh(core_axis_name="c", subcore_axis_name="s"),
    compiler_params=pltpu.CompilerParams(needs_layout_passes=False),
    out_type=[
        jax.ShapeDtypeStruct((ROWS, IN_DIM), jnp.float32),
        jax.ShapeDtypeStruct((BS, 16), jnp.int32),
    ],
    scratch_types=[
        pltpu.VMEM((SEQ,), jnp.int32),
        pltpu.VMEM((PT,), jnp.int32),
        pltpu.VMEM((CR, IN_DIM), jnp.float32),
        pltpu.VMEM((CR, IN_DIM), jnp.float32),
        pltpu.VMEM((16,), jnp.int32),
        pltpu.SemaphoreType.DMA,
        pltpu.SemaphoreType.DMA,
    ],
)
def _sc_gather(text_hbm, feat_hbm, out_hbm, lens_hbm, *scratch):
    _sc_body(text_hbm, feat_hbm, out_hbm, lens_hbm, *scratch)


NBLK = 8
BLK = ROWS // NBLK


def _tc_body(x_hbm, wlt_hbm, w0t_hbm, w1t_hbm, blin_ref, b0_ref, b1_ref,
             g0_ref, be0_ref, lens_ref, out_ref, xbuf, hbuf,
             wlv, w0v, w1v, sems, wsems):
    cw0 = pltpu.make_async_copy(w0t_hbm, w0v, wsems.at[0])
    cw0.start()
    copies = []
    for k in range(NBLK):
        copies.append(pltpu.make_async_copy(
            x_hbm.at[pl.ds(k * BLK, BLK)], xbuf.at[pl.ds(k * BLK, BLK)],
            sems.at[k]))
        copies[-1].start()
    cw1 = pltpu.make_async_copy(w1t_hbm, w1v, wsems.at[1])
    cw1.start()
    cwl = pltpu.make_async_copy(wlt_hbm, wlv, wsems.at[2])
    cwl.start()
    cw0.wait()
    w0t_ref, w1t_ref, wlt_ref = w0v, w1v, wlv

    denom = jnp.float32(BS * KK)
    s1 = jnp.zeros((1, HID), jnp.float32)
    s2 = jnp.zeros((1, HID), jnp.float32)
    half_ok = lax.broadcasted_iota(jnp.int32, (BLK, 1), 0) < (KK - BLK)
    for k in range(NBLK):
        copies[k].wait()
        xk = xbuf[k * BLK:(k + 1) * BLK, :]
        if k % 2 == 1:
            xk = jnp.where(half_ok, xk, 0.0)
        ssq = jnp.sum(xk * xk, axis=1, keepdims=True)
        xn = xk / jnp.maximum(jnp.sqrt(ssq), 1e-6)
        xbuf[k * BLK:(k + 1) * BLK, :] = xn
        h = jnp.dot(xn, w0t_ref[...],
                    preferred_element_type=jnp.float32) + b0_ref[...]
        hm = jnp.where(half_ok, h, 0.0) if k % 2 == 1 else h
        s1 = s1 + jnp.sum(hm, axis=0, keepdims=True)
        s2 = s2 + jnp.sum(hm * hm, axis=0, keepdims=True)
        hbuf[k * BLK:(k + 1) * BLK, :] = h

    mu = s1 / denom
    var = s2 / denom - mu * mu
    rstd = 1.0 / jnp.sqrt(var + 1e-5)

    cw1.wait()
    cwl.wait()
    neg = jnp.float32(-jnp.inf)
    biota = lax.broadcasted_iota(jnp.int32, (BLK, 1), 0)
    for k in range(NBLK):
        b = k // 2
        h = hbuf[k * BLK:(k + 1) * BLK, :]
        hn = (h - mu) * rstd * g0_ref[...] + be0_ref[...]
        r = jnp.maximum(hn, 0.0)
        fused = (jnp.dot(r, w1t_ref[...], preferred_element_type=jnp.float32)
                 + jnp.dot(xbuf[k * BLK:(k + 1) * BLK, :], wlt_ref[...],
                           preferred_element_type=jnp.float32)
                 + b1_ref[...] + blin_ref[...])
        plen = jnp.clip(SEQ - lens_ref[b, 0] - 2, 1, KK)
        pm = biota + (k % 2) * BLK < plen
        bmax = jnp.max(jnp.where(pm, fused, neg), axis=0)
        if k % 2 == 0:
            out_ref[b, :] = bmax
        else:
            out_ref[b, :] = jnp.maximum(out_ref[b, :], bmax)


def _tc_dense(x, wlt, w0t, w1t, blin, b0, b1, g0, be0, lens):
    vspec = pl.BlockSpec(memory_space=pltpu.VMEM)
    return pl.pallas_call(
        _tc_body,
        out_shape=jax.ShapeDtypeStruct((BS, EMB), jnp.float32),
        in_specs=[pl.BlockSpec(memory_space=pl.ANY)] * 4 + [vspec] * 5
        + [pl.BlockSpec(memory_space=pltpu.SMEM)],
        out_specs=vspec,
        scratch_shapes=[
            pltpu.VMEM((ROWS, IN_DIM), jnp.float32),
            pltpu.VMEM((ROWS, HID), jnp.float32),
            pltpu.VMEM((IN_DIM, EMB), jnp.float32),
            pltpu.VMEM((IN_DIM, HID), jnp.float32),
            pltpu.VMEM((HID, EMB), jnp.float32),
            pltpu.SemaphoreType.DMA((NBLK,)),
            pltpu.SemaphoreType.DMA((3,)),
        ],
        compiler_params=pltpu.CompilerParams(
            vmem_limit_bytes=128 * 1024 * 1024),
    )(x, wlt, w0t, w1t, blin, b0, b1, g0, be0, lens)


def kernel(features, text, atten, W_lin, b_lin, W0, b0, g0, be0, W1, b1):
    del atten
    feat_flat = features.reshape(BS * SEQ, IN_DIM)
    text_flat = text.reshape(BS * SEQ).astype(jnp.int32)

    feats_sc, lens = _sc_gather(text_flat, feat_flat)

    out = _tc_dense(
        feats_sc,
        W_lin.T, W0.T, W1.T,
        b_lin.reshape(1, EMB), b0.reshape(1, HID), b1.reshape(1, EMB),
        g0.reshape(1, HID), be0.reshape(1, HID),
        lens,
    )
    return out.astype(jnp.float32)

# --- scband reference (transcript-rebuilt; emitter-appended) ---
"""Pipeline reference for scband-texual-embedding-layer-42984032698690 (READ-ONLY COPY).

The authoritative reference and input builder live on the scoring server;
editing this copy changes nothing except your own understanding.
"""

import jax, jax.numpy as jnp
import numpy as np

BS, SEQ, IN_DIM, EMB = 4, 4096, 512, 1024
HID = EMB // 2
RATIO = 0.3

def setup_inputs(seed: int = 0) -> dict:
    key = jax.random.key(seed)
    ks = jax.random.split(key, 12)
    features = jax.random.normal(ks[0], (BS, SEQ, IN_DIM), jnp.float32)
    text = jax.random.randint(ks[1], (BS, SEQ), 0, 30000, dtype=jnp.int32)
    atten = jax.random.uniform(ks[2], (BS, SEQ, SEQ), jnp.float32)
    W_lin = jax.random.normal(ks[3], (EMB, IN_DIM), jnp.float32) * 0.02
    b_lin = jnp.zeros((EMB,), jnp.float32)
    W0 = jax.random.normal(ks[4], (HID, IN_DIM), jnp.float32) * 0.02
    b0 = jnp.zeros((HID,), jnp.float32)
    g0 = jnp.ones((HID,), jnp.float32)
    be0 = jnp.zeros((HID,), jnp.float32)
    W1 = jax.random.normal(ks[5], (EMB, HID), jnp.float32) * 0.02
    b1 = jnp.zeros((EMB,), jnp.float32)
    return {"features": features, "text": text, "atten": atten,
            "W_lin": W_lin, "b_lin": b_lin, "W0": W0, "b0": b0,
            "g0": g0, "be0": be0, "W1": W1, "b1": b1}

def reference(features, text, atten, W_lin, b_lin, W0, b0, g0, be0, W1, b1):
    bs, seq_len, _ = atten.shape
    mask = (text != 0).astype(jnp.float32)
    token_lens = mask.sum(axis=1)
    kk = max(1, int((seq_len - 2) * RATIO))
    eos_pos = jnp.clip((token_lens - 1).astype(jnp.int32), 0, seq_len - 1)
    batch_idx = jnp.arange(bs)
    rows = jnp.arange(seq_len)
    # atten[batch_idx, :, 0] = -1
    atten = atten.at[:, :, 0].set(-1.0)
    # atten[batch_idx, :, eos_pos] = -1 (per-batch column)
    atten = atten.at[batch_idx[:, None], rows[None, :], eos_pos[:, None]].set(-1.0)
    # atten[batch_idx, eos_pos, :] = -1 (per-batch row)
    atten = atten.at[batch_idx[:, None], eos_pos[:, None], rows[None, :]].set(-1.0)
    atten_sel = atten[batch_idx, eos_pos, :]
    atten_sel = atten_sel * mask
    topk_vals, topk_idx = jax.lax.top_k(atten_sel, kk)
    feats_k = jnp.take_along_axis(features, topk_idx[:, :, None], axis=1)
    norm = jnp.maximum(jnp.linalg.norm(feats_k, axis=-1, keepdims=True), 1e-06)
    feats_k = feats_k / norm
    pool_lens = jnp.clip(token_lens - 2, 1, kk).astype(jnp.int32)
    cap_emb = feats_k @ W_lin.T + b_lin
    # MLP (num_layers=2): relu(bn0(linear0(x))) then linear1 (bn1 unused in torch forward)
    x = feats_k.reshape(bs * kk, IN_DIM)
    h = x @ W0.T + b0
    mu = h.mean(axis=0)
    var = h.var(axis=0)
    h = (h - mu) / jnp.sqrt(var + 1e-5) * g0 + be0
    h = jax.nn.relu(h)
    h = h @ W1.T + b1
    feats_mlp = h.reshape(bs, kk, EMB)
    fused = feats_mlp + cap_emb
    # maxk_pool1d_var with k=1: per-row max over first pool_lens[i] positions
    pmask = jnp.arange(kk)[None, :] < pool_lens[:, None]
    out = jnp.where(pmask[:, :, None], fused, -jnp.inf).max(axis=1)
    return out.astype(jnp.float32)

if __name__ == "__main__":
    import jax
    _d = setup_inputs()
    print(jax.jit(kernel)(*tuple(_d.values())))

</pallas_src>

<mosaic_0001>
#map = affine_map<(d0, d1) -> (0)>
#map1 = affine_map<(d0, d1) -> (0, 0)>
module attributes {stable_mosaic.version = 14 : i64} {
  func.func @_sc_gather(%arg0: i32, %arg1: i32, %arg2: memref<16384xi32, #tpu.memory_space<hbm>>, %arg3: memref<16384x512xf32, #tpu.memory_space<hbm>>, %arg4: memref<5120x512xf32, #tpu.memory_space<hbm>>, %arg5: memref<4x16xi32, #tpu.memory_space<hbm>>, %arg6: memref<4096xi32, #tpu.memory_space<vmem>>, %arg7: memref<160xi32, #tpu.memory_space<vmem>>, %arg8: memref<40x512xf32, #tpu.memory_space<vmem>>, %arg9: memref<40x512xf32, #tpu.memory_space<vmem>>, %arg10: memref<16xi32, #tpu.memory_space<vmem>>, %arg11: memref<!tpu.dma_semaphore, #tpu.memory_space<semaphore_mem>>, %arg12: memref<!tpu.dma_semaphore, #tpu.memory_space<semaphore_mem>>) attributes {dimension_semantics = [#tpu.dimension_semantics<core_parallel>, #tpu.dimension_semantics<subcore_parallel>], iteration_bounds = array<i64: 2, 16>, scalar_prefetch = 0 : i64, scratch_operands = 7 : i64, tpu.core_type = #tpu.core_type<sc_vector_subcore>, window_params = [{transform_indices = #map}, {transform_indices = #map1}, {transform_indices = #map1}, {transform_indices = #map1}]} {
    %mul3A = arith.constant 16 : i32
    %mul3A_0 = arith.muli %mul3A, %arg0 : i32
    %add3A = arith.addi %mul3A_0, %arg1 : i32
    %jit3A = arith.constant 8 : i32
    %div3A = arith.divsi %add3A, %jit3A : i32
    %sign3A = arith.constant 0 : i32
    %sign3A_1 = arith.cmpi sgt, %add3A, %sign3A : i32
    %sign3A_2 = arith.extui %sign3A_1 : i1 to i32
    %sign3A_3 = arith.constant 0 : i32
    %sign3A_4 = arith.cmpi slt, %add3A, %sign3A_3 : i32
    %sign3A_5 = arith.extui %sign3A_4 : i1 to i32
    %sign3A_6 = arith.subi %sign3A_2, %sign3A_5 : i32
    %sign3A_7 = arith.constant 0 : i32
    %sign3A_8 = arith.cmpi sgt, %jit3A, %sign3A_7 : i32
    %sign3A_9 = arith.extui %sign3A_8 : i1 to i32
    %sign3A_10 = arith.constant 0 : i32
    %sign3A_11 = arith.cmpi slt, %jit3A, %sign3A_10 : i32
    %sign3A_12 = arith.extui %sign3A_11 : i1 to i32
    %sign3A_13 = arith.subi %sign3A_9, %sign3A_12 : i32
    %ne3A = arith.cmpi ne, %sign3A_6, %sign3A_13 : i32
    %rem3A = arith.remsi %add3A, %jit3A : i32
    %ne3A_14 = arith.constant 0 : i32
    %ne3A_15 = arith.cmpi ne, %rem3A, %ne3A_14 : i32
    %and3A = arith.andi %ne3A, %ne3A_15 : i1
    %sub3A = arith.constant 1 : i32
    %sub3A_16 = arith.subi %div3A, %sub3A : i32
    %select_n3A = arith.select %and3A, %sub3A_16, %div3A : i32
    %jit3A_17 = arith.constant 8 : i32
    %eq3A = arith.constant 0 : i32
    %eq3A_18 = arith.cmpi eq, %jit3A_17, %eq3A : i32
    %jit3A_19 = arith.constant 1 : i32
    %select_n3A_20 = arith.select %eq3A_18, %jit3A_19, %jit3A_17 : i32
    %rem3A_21 = arith.remsi %add3A, %select_n3A_20 : i32
    %ne3A_22 = arith.constant 0 : i32
    %ne3A_23 = arith.cmpi ne, %rem3A_21, %ne3A_22 : i32
    %lt3A = arith.constant 0 : i32
    %lt3A_24 = arith.cmpi slt, %rem3A_21, %lt3A : i32
    %lt3A_25 = arith.constant 0 : i32
    %lt3A_26 = arith.cmpi slt, %select_n3A_20, %lt3A_25 : i32
    %ne3A_27 = arith.xori %lt3A_24, %lt3A_26 : i1
    %and3A_28 = arith.andi %ne3A_27, %ne3A_23 : i1
    %add3A_29 = arith.addi %rem3A_21, %select_n3A_20 : i32
    %select_n3A_30 = arith.select %and3A_28, %add3A_29, %rem3A_21 : i32
    %mul3A_31 = arith.constant 160 : i32
    %mul3A_32 = arith.muli %select_n3A_30, %mul3A_31 : i32
    %mul3A_33 = arith.constant 1280 : i32
    %mul3A_34 = arith.muli %select_n3A, %mul3A_33 : i32
    %add3A_35 = arith.addi %mul3A_34, %mul3A_32 : i32
    %mul3A_36 = arith.constant 4096 : i32
    %mul3A_37 = arith.muli %select_n3A, %mul3A_36 : i32
    "tpu.region"() ({
      %run_scoped3A = tpu.sem_alloc : memref<!tpu.dma_semaphore, #tpu.memory_space<semaphore_mem>>
      %dma_start3A_143 = tpu.memref_slice %arg2[%mul3A_37] : memref<16384xi32, #tpu.memory_space<hbm>> -> memref<4096xi32, #tpu.memory_space<hbm>>
      %dma_start3A_144 = tpu.memref_slice %arg2[%mul3A_37] : memref<16384xi32, #tpu.memory_space<hbm>> -> memref<4096xi32, #tpu.memory_space<hbm>>
      tpu.enqueue_dma source(%dma_start3A_144 : memref<4096xi32, #tpu.memory_space<hbm>>) target(%arg6 : memref<4096xi32, #tpu.memory_space<vmem>>) target_semaphore(%run_scoped3A : memref<!tpu.dma_semaphore, #tpu.memory_space<semaphore_mem>>)
      %dma_wait3A_145 = tpu.memref_slice %arg2[%mul3A_37] : memref<16384xi32, #tpu.memory_space<hbm>> -> memref<4096xi32, #tpu.memory_space<hbm>>
      %dma_wait3A_146 = tpu.memref_slice %arg2[%mul3A_37] : memref<16384xi32, #tpu.memory_space<hbm>> -> memref<4096xi32, #tpu.memory_space<hbm>>
      tpu.wait_dma2 semaphore(%run_scoped3A : memref<!tpu.dma_semaphore, #tpu.memory_space<semaphore_mem>>) src(%dma_wait3A_146 : memref<4096xi32, #tpu.memory_space<hbm>>) dst(%arg6 : memref<4096xi32, #tpu.memory_space<vmem>>)
      tpu.yield
    }) : () -> ()
    %iota3A = tpu.iota {dimensions = array<i32: 0>} : vector<16xi32>
    %broadcast_in_dim3A = arith.constant 0 : i32
    %broadcast_in_dim3A_38 = vector.broadcast %broadcast_in_dim3A : i32 to vector<16xi32>
    %scan3A = arith.constant 0 : i32
    %scan3A_39 = arith.constant 256 : i32
    %scan3A_40 = arith.addi %scan3A, %scan3A_39 : i32
    %scan3A_41 = arith.constant 1 : i32
    %scan3A_42 = scf.for %scan3A_143 = %scan3A to %scan3A_40 step %scan3A_41 iter_args(%scan3A_144 = %broadcast_in_dim3A_38) -> (vector<16xi32>)  : i32 {
      %mul3A_145 = arith.constant 16 : i32
      %mul3A_146 = arith.muli %scan3A_143, %mul3A_145 : i32
      %get3A = arith.index_cast %mul3A_146 : i32 to index
      %get3A_147 = tpu.vector_load %arg6[%get3A] {strides = array<i32>} : memref<4096xi32, #tpu.memory_space<vmem>>, vector<16xi32>,
      %eq3A_148 = arith.constant 0 : i32
      %eq3A_149 = vector.broadcast %eq3A_148 : i32 to vector<16xi32>
      %eq3A_150 = arith.cmpi eq, %get3A_147, %eq3A_149 : vector<16xi32>
      %all_reduce_population_count3A = tpu.all_reduce %eq3A_150 {dim = 0 : i64, kind = #tpu.reduction_kind<sum>} : vector<16xi1> -> vector<16xi32>
      %add3A_151 = arith.addi %scan3A_144, %all_reduce_population_count3A : vector<16xi32>
      scf.yield %add3A_151 : vector<16xi32>
    }
    %scan3A_43 = arith.constant 256 : i32
    %eq3A_44 = arith.constant 0 : i32
    %eq3A_45 = arith.cmpi eq, %select_n3A_30, %eq3A_44 : i32
    %convert_element_type3A = arith.extui %eq3A_45 : i1 to i32
    %cond3A = arith.constant 0 : i32
    %cond3A_46 = arith.cmpi ne, %convert_element_type3A, %cond3A : i32
    scf.if %cond3A_46 {
      %swap3A = arith.constant 0 : index
      %swap3A_143 = tpu.vector_load %arg10[%swap3A] {strides = array<i32>} : memref<16xi32, #tpu.memory_space<vmem>>, vector<16xi32>,
      tpu.vector_store %arg10[%swap3A], %scan3A_42 {strides = array<i32>} : memref<16xi32, #tpu.memory_space<vmem>>, vector<16xi32>,
      "tpu.region"() ({
        %run_scoped3A = tpu.sem_alloc : memref<!tpu.dma_semaphore, #tpu.memory_space<semaphore_mem>>
        %dma_start3A_144 = arith.constant 0 : i32
        %dma_start3A_145 = tpu.memref_slice %arg5[%select_n3A, %dma_start3A_144] : memref<4x16xi32, #tpu.memory_space<hbm>> -> memref<1x16xi32, #tpu.memory_space<hbm>>
        %dma_start3A_146 = tpu.memref_squeeze %dma_start3A_145 : memref<1x16xi32, #tpu.memory_space<hbm>> -> memref<16xi32, #tpu.memory_space<hbm>>
        %dma_start3A_147 = arith.constant 0 : i32
        %dma_start3A_148 = tpu.memref_slice %arg5[%select_n3A, %dma_start3A_147] : memref<4x16xi32, #tpu.memory_space<hbm>> -> memref<1x16xi32, #tpu.memory_space<hbm>>
        %dma_start3A_149 = tpu.memref_squeeze %dma_start3A_148 : memref<1x16xi32, #tpu.memory_space<hbm>> -> memref<16xi32, #tpu.memory_space<hbm>>
        tpu.enqueue_dma source(%arg10 : memref<16xi32, #tpu.memory_space<vmem>>) target(%dma_start3A_149 : memref<16xi32, #tpu.memory_space<hbm>>) target_semaphore(%run_scoped3A : memref<!tpu.dma_semaphore, #tpu.memory_space<semaphore_mem>>)
        %dma_wait3A_150 = arith.constant 0 : i32
        %dma_wait3A_151 = tpu.memref_slice %arg5[%select_n3A, %dma_wait3A_150] : memref<4x16xi32, #tpu.memory_space<hbm>> -> memref<1x16xi32, #tpu.memory_space<hbm>>
        %dma_wait3A_152 = tpu.memref_squeeze %dma_wait3A_151 : memref<1x16xi32, #tpu.memory_space<hbm>> -> memref<16xi32, #tpu.memory_space<hbm>>
        %dma_wait3A_153 = arith.constant 0 : i32
        %dma_wait3A_154 = tpu.memref_slice %arg5[%select_n3A, %dma_wait3A_153] : memref<4x16xi32, #tpu.memory_space<hbm>> -> memref<1x16xi32, #tpu.memory_space<hbm>>
        %dma_wait3A_155 = tpu.memref_squeeze %dma_wait3A_154 : memref<1x16xi32, #tpu.memory_space<hbm>> -> memref<16xi32, #tpu.memory_space<hbm>>
        tpu.wait_dma2 semaphore(%run_scoped3A : memref<!tpu.dma_semaphore, #tpu.memory_space<semaphore_mem>>) src(%arg10 : memref<16xi32, #tpu.memory_space<vmem>>) dst(%dma_wait3A_155 : memref<16xi32, #tpu.memory_space<hbm>>)
        tpu.yield
      }) : () -> ()
    } else {
    }
    %broadcast_in_dim3A_47 = vector.broadcast %mul3A_32 : i32 to vector<16xi32>
    %mul3A_48 = arith.constant 4096 : i32
    %mul3A_49 = arith.muli %select_n3A, %mul3A_48 : i32
    %broadcast_in_dim3A_50 = vector.broadcast %mul3A_49 : i32 to vector<16xi32>
    %add3A_51 = arith.addi %broadcast_in_dim3A_50, %iota3A : vector<16xi32>
    %slice3A = vector.extract_strided_slice %scan3A_42 {offsets = [0], sizes = [1], strides = [1]} : vector<16xi32> to vector<1xi32>
    %squeeze3A = vector.extract %slice3A[0] : i32 from vector<1xi32>
    %add3A_52 = arith.constant 160 : i32
    %add3A_53 = arith.addi %mul3A_32, %add3A_52 : i32
    %add3A_54 = arith.addi %add3A_53, %squeeze3A : i32
    %add3A_55 = arith.constant 15 : i32
    %add3A_56 = arith.addi %add3A_54, %add3A_55 : i32
    %jit3A_57 = arith.constant 16 : i32
    %div3A_58 = arith.divsi %add3A_56, %jit3A_57 : i32
    %sign3A_59 = arith.constant 0 : i32
    %sign3A_60 = arith.cmpi sgt, %add3A_56, %sign3A_59 : i32
    %sign3A_61 = arith.extui %sign3A_60 : i1 to i32
    %sign3A_62 = arith.constant 0 : i32
    %sign3A_63 = arith.cmpi slt, %add3A_56, %sign3A_62 : i32
    %sign3A_64 = arith.extui %sign3A_63 : i1 to i32
    %sign3A_65 = arith.subi %sign3A_61, %sign3A_64 : i32
    %sign3A_66 = arith.constant 0 : i32
    %sign3A_67 = arith.cmpi sgt, %jit3A_57, %sign3A_66 : i32
    %sign3A_68 = arith.extui %sign3A_67 : i1 to i32
    %sign3A_69 = arith.constant 0 : i32
    %sign3A_70 = arith.cmpi slt, %jit3A_57, %sign3A_69 : i32
    %sign3A_71 = arith.extui %sign3A_70 : i1 to i32
    %sign3A_72 = arith.subi %sign3A_68, %sign3A_71 : i32
    %ne3A_73 = arith.cmpi ne, %sign3A_65, %sign3A_72 : i32
    %rem3A_74 = arith.remsi %add3A_56, %jit3A_57 : i32
    %ne3A_75 = arith.constant 0 : i32
    %ne3A_76 = arith.cmpi ne, %rem3A_74, %ne3A_75 : i32
    %and3A_77 = arith.andi %ne3A_73, %ne3A_76 : i1
    %sub3A_78 = arith.constant 1 : i32
    %sub3A_79 = arith.subi %div3A_58, %sub3A_78 : i32
    %select_n3A_80 = arith.select %and3A_77, %sub3A_79, %div3A_58 : i32
    %min3A = arith.constant 256 : i32
    %min3A_81 = arith.minsi %min3A, %select_n3A_80 : i32
    %broadcast_in_dim3A_82 = arith.constant 0 : i32
    %broadcast_in_dim3A_83 = vector.broadcast %broadcast_in_dim3A_82 : i32 to vector<16xi32>
    %while3A = arith.constant 0 : i32
    %while3A_84 = arith.subi %min3A_81, %while3A : i32
    %while3A_85 = arith.addi %while3A, %while3A_84 : i32
    %while3A_86 = arith.constant 1 : i32
    %while3A_87 = arith.divsi %while3A_84, %while3A_86 : i32
    %while3A_88 = arith.muli %while3A_87, %while3A_86 : i32
    %while3A_89 = arith.addi %while3A, %while3A_88 : i32
    %while3A_90 = arith.constant 1 : i32
    %while3A_91 = scf.for %while3A_143 = %while3A to %while3A_89 step %while3A_90 iter_args(%while3A_144 = %broadcast_in_dim3A_83) -> (vector<16xi32>)  : i32 {
      %mul3A_145 = arith.constant 16 : i32
      %mul3A_146 = arith.muli %while3A_143, %mul3A_145 : i32
      %get3A = arith.index_cast %mul3A_146 : i32 to index
      %get3A_147 = tpu.vector_load %arg6[%get3A] {strides = array<i32>} : memref<4096xi32, #tpu.memory_space<vmem>>, vector<16xi32>,
      %eq3A_148 = arith.constant 0 : i32
      %eq3A_149 = vector.broadcast %eq3A_148 : i32 to vector<16xi32>
      %eq3A_150 = arith.cmpi eq, %get3A_147, %eq3A_149 : vector<16xi32>
      %convert_element_type3A_151 = arith.extui %eq3A_150 : vector<16xi1> to vector<16xi32>
      %broadcast_in_dim3A_152 = arith.constant true
      %broadcast_in_dim3A_153 = vector.broadcast %broadcast_in_dim3A_152 : i1 to vector<16xi1>
      %masked_cumsum3A = tpu.scan <sum>, %convert_element_type3A_151 masked %broadcast_in_dim3A_153 : vector<16xi32>, vector<16xi1> -> vector<16xi32>
      %mul3A_154 = arith.constant 16 : i32
      %mul3A_155 = arith.muli %while3A_143, %mul3A_154 : i32
      %add3A_156 = vector.broadcast %mul3A_155 : i32 to vector<16xi32>
      %add3A_157 = arith.addi %add3A_156, %iota3A : vector<16xi32>
      %add3A_158 = arith.addi %while3A_144, %masked_cumsum3A : vector<16xi32>
      %add3A_159 = arith.addi %scan3A_42, %add3A_157 : vector<16xi32>
      %add3A_160 = arith.constant 1 : i32
      %add3A_161 = vector.broadcast %add3A_160 : i32 to vector<16xi32>
      %add3A_162 = arith.addi %add3A_159, %add3A_161 : vector<16xi32>
      %sub3A_163 = arith.subi %add3A_162, %while3A_144 : vector<16xi32>
      %sub3A_164 = arith.subi %sub3A_163, %masked_cumsum3A : vector<16xi32>
      %select_n3A_165 = arith.select %eq3A_150, %add3A_158, %sub3A_164 : vector<16xi1>, vector<16xi32>
      %sub3A_166 = arith.constant 1 : i32
      %sub3A_167 = vector.broadcast %sub3A_166 : i32 to vector<16xi32>
      %sub3A_168 = arith.subi %select_n3A_165, %sub3A_167 : vector<16xi32>
      %sub3A_169 = arith.subi %sub3A_168, %broadcast_in_dim3A_47 : vector<16xi32>
      %ge3A = arith.constant 0 : i32
      %ge3A_170 = vector.broadcast %ge3A : i32 to vector<16xi32>
      %ge3A_171 = arith.cmpi sge, %sub3A_169, %ge3A_170 : vector<16xi32>
      %lt3A_172 = arith.constant 160 : i32
      %lt3A_173 = vector.broadcast %lt3A_172 : i32 to vector<16xi32>
      %lt3A_174 = arith.cmpi slt, %sub3A_169, %lt3A_173 : vector<16xi32>
      %and3A_175 = arith.andi %ge3A_171, %lt3A_174 : vector<16xi1>
      %mul3A_176 = arith.constant 16 : i32
      %mul3A_177 = arith.muli %while3A_143, %mul3A_176 : i32
      %add3A_178 = vector.broadcast %mul3A_177 : i32 to vector<16xi32>
      %add3A_179 = arith.addi %add3A_51, %add3A_178 : vector<16xi32>
      %jit3A_180 = arith.constant 0 : i32
      %jit3A_181 = arith.constant 159 : i32
      %max3A = vector.broadcast %jit3A_180 : i32 to vector<16xi32>
      %max3A_182 = arith.maxsi %max3A, %sub3A_169 : vector<16xi32>
      %min3A_183 = vector.broadcast %jit3A_181 : i32 to vector<16xi32>
      %min3A_184 = arith.minsi %min3A_183, %max3A_182 : vector<16xi32>
      tpu.vector_store_idx %arg7[%min3A_184], %add3A_179 masked %and3A_175 : memref<160xi32, #tpu.memory_space<vmem>>[vector<16xi32>], vector<16xi32>, vector<16xi1>
      %all_reduce_population_count3A = tpu.all_reduce %eq3A_150 {dim = 0 : i64, kind = #tpu.reduction_kind<sum>} : vector<16xi1> -> vector<16xi32>
      %add3A_185 = arith.addi %while3A_144, %all_reduce_population_count3A : vector<16xi32>
      scf.yield %add3A_185 : vector<16xi32>
    }
    %while3A_92 = arith.constant 1 : i32
    %while3A_93 = scf.for %while3A_143 = %while3A_89 to %while3A_85 step %while3A_92 iter_args(%while3A_144 = %while3A_91) -> (vector<16xi32>)  : i32 {
      %mul3A_145 = arith.constant 16 : i32
      %mul3A_146 = arith.muli %while3A_143, %mul3A_145 : i32
      %get3A = arith.index_cast %mul3A_146 : i32 to index
      %get3A_147 = tpu.vector_load %arg6[%get3A] {strides = array<i32>} : memref<4096xi32, #tpu.memory_space<vmem>>, vector<16xi32>,
      %eq3A_148 = arith.constant 0 : i32
      %eq3A_149 = vector.broadcast %eq3A_148 : i32 to vector<16xi32>
      %eq3A_150 = arith.cmpi eq, %get3A_147, %eq3A_149 : vector<16xi32>
      %convert_element_type3A_151 = arith.extui %eq3A_150 : vector<16xi1> to vector<16xi32>
      %broadcast_in_dim3A_152 = arith.constant true
      %broadcast_in_dim3A_153 = vector.broadcast %broadcast_in_dim3A_152 : i1 to vector<16xi1>
      %masked_cumsum3A = tpu.scan <sum>, %convert_element_type3A_151 masked %broadcast_in_dim3A_153 : vector<16xi32>, vector<16xi1> -> vector<16xi32>
      %mul3A_154 = arith.constant 16 : i32
      %mul3A_155 = arith.muli %while3A_143, %mul3A_154 : i32
      %add3A_156 = vector.broadcast %mul3A_155 : i32 to vector<16xi32>
      %add3A_157 = arith.addi %add3A_156, %iota3A : vector<16xi32>
      %add3A_158 = arith.addi %while3A_144, %masked_cumsum3A : vector<16xi32>
      %add3A_159 = arith.addi %scan3A_42, %add3A_157 : vector<16xi32>
      %add3A_160 = arith.constant 1 : i32
      %add3A_161 = vector.broadcast %add3A_160 : i32 to vector<16xi32>
      %add3A_162 = arith.addi %add3A_159, %add3A_161 : vector<16xi32>
      %sub3A_163 = arith.subi %add3A_162, %while3A_144 : vector<16xi32>
      %sub3A_164 = arith.subi %sub3A_163, %masked_cumsum3A : vector<16xi32>
      %select_n3A_165 = arith.select %eq3A_150, %add3A_158, %sub3A_164 : vector<16xi1>, vector<16xi32>
      %sub3A_166 = arith.constant 1 : i32
      %sub3A_167 = vector.broadcast %sub3A_166 : i32 to vector<16xi32>
      %sub3A_168 = arith.subi %select_n3A_165, %sub3A_167 : vector<16xi32>
      %sub3A_169 = arith.subi %sub3A_168, %broadcast_in_dim3A_47 : vector<16xi32>
      %ge3A = arith.constant 0 : i32
      %ge3A_170 = vector.broadcast %ge3A : i32 to vector<16xi32>
      %ge3A_171 = arith.cmpi sge, %sub3A_169, %ge3A_170 : vector<16xi32>
      %lt3A_172 = arith.constant 160 : i32
      %lt3A_173 = vector.broadcast %lt3A_172 : i32 to vector<16xi32>
      %lt3A_174 = arith.cmpi slt, %sub3A_169, %lt3A_173 : vector<16xi32>
      %and3A_175 = arith.andi %ge3A_171, %lt3A_174 : vector<16xi1>
      %mul3A_176 = arith.constant 16 : i32
      %mul3A_177 = arith.muli %while3A_143, %mul3A_176 : i32
      %add3A_178 = vector.broadcast %mul3A_177 : i32 to vector<16xi32>
      %add3A_179 = arith.addi %add3A_51, %add3A_178 : vector<16xi32>
      %jit3A_180 = arith.constant 0 : i32
      %jit3A_181 = arith.constant 159 : i32
      %max3A = vector.broadcast %jit3A_180 : i32 to vector<16xi32>
      %max3A_182 = arith.maxsi %max3A, %sub3A_169 : vector<16xi32>
      %min3A_183 = vector.broadcast %jit3A_181 : i32 to vector<16xi32>
      %min3A_184 = arith.minsi %min3A_183, %max3A_182 : vector<16xi32>
      tpu.vector_store_idx %arg7[%min3A_184], %add3A_179 masked %and3A_175 : memref<160xi32, #tpu.memory_space<vmem>>[vector<16xi32>], vector<16xi32>, vector<16xi1>
      %all_reduce_population_count3A = tpu.all_reduce %eq3A_150 {dim = 0 : i64, kind = #tpu.reduction_kind<sum>} : vector<16xi1> -> vector<16xi32>
      %add3A_185 = arith.addi %while3A_144, %all_reduce_population_count3A : vector<16xi32>
      scf.yield %add3A_185 : vector<16xi32>
    }
    %gt3A = arith.cmpi sgt, %squeeze3A, %mul3A_32 : i32
    %convert_element_type3A_94 = arith.extui %gt3A : i1 to i32
    %cond3A_95 = arith.constant 0 : i32
    %cond3A_96 = arith.cmpi ne, %convert_element_type3A_94, %cond3A_95 : i32
    scf.if %cond3A_96 {
      %while3A_143 = arith.constant 256 : i32
      %while3A_144 = arith.subi %while3A_143, %min3A_81 : i32
      %while3A_145 = arith.addi %min3A_81, %while3A_144 : i32
      %while3A_146 = arith.constant 1 : i32
      %while3A_147 = arith.divsi %while3A_144, %while3A_146 : i32
      %while3A_148 = arith.muli %while3A_147, %while3A_146 : i32
      %while3A_149 = arith.addi %min3A_81, %while3A_148 : i32
      %while3A_150 = arith.constant 1 : i32
      %while3A_151 = scf.for %while3A_154 = %min3A_81 to %while3A_149 step %while3A_150 iter_args(%while3A_155 = %while3A_93) -> (vector<16xi32>)  : i32 {
        %mul3A_156 = arith.constant 16 : i32
        %mul3A_157 = arith.muli %while3A_154, %mul3A_156 : i32
        %get3A = arith.index_cast %mul3A_157 : i32 to index
        %get3A_158 = tpu.vector_load %arg6[%get3A] {strides = array<i32>} : memref<4096xi32, #tpu.memory_space<vmem>>, vector<16xi32>,
        %eq3A_159 = arith.constant 0 : i32
        %eq3A_160 = vector.broadcast %eq3A_159 : i32 to vector<16xi32>
        %eq3A_161 = arith.cmpi eq, %get3A_158, %eq3A_160 : vector<16xi32>
        %convert_element_type3A_162 = arith.extui %eq3A_161 : vector<16xi1> to vector<16xi32>
        %broadcast_in_dim3A_163 = arith.constant true
        %broadcast_in_dim3A_164 = vector.broadcast %broadcast_in_dim3A_163 : i1 to vector<16xi1>
        %masked_cumsum3A = tpu.scan <sum>, %convert_element_type3A_162 masked %broadcast_in_dim3A_164 : vector<16xi32>, vector<16xi1> -> vector<16xi32>
        %mul3A_165 = arith.constant 16 : i32
        %mul3A_166 = arith.muli %while3A_154, %mul3A_165 : i32
        %add3A_167 = vector.broadcast %mul3A_166 : i32 to vector<16xi32>
        %add3A_168 = arith.addi %add3A_167, %iota3A : vector<16xi32>
        %add3A_169 = arith.addi %while3A_155, %masked_cumsum3A : vector<16xi32>
        %add3A_170 = arith.addi %scan3A_42, %add3A_168 : vector<16xi32>
        %add3A_171 = arith.constant 1 : i32
        %add3A_172 = vector.broadcast %add3A_171 : i32 to vector<16xi32>
        %add3A_173 = arith.addi %add3A_170, %add3A_172 : vector<16xi32>
        %sub3A_174 = arith.subi %add3A_173, %while3A_155 : vector<16xi32>
        %sub3A_175 = arith.subi %sub3A_174, %masked_cumsum3A : vector<16xi32>
        %select_n3A_176 = arith.select %eq3A_161, %add3A_169, %sub3A_175 : vector<16xi1>, vector<16xi32>
        %sub3A_177 = arith.constant 1 : i32
        %sub3A_178 = vector.broadcast %sub3A_177 : i32 to vector<16xi32>
        %sub3A_179 = arith.subi %select_n3A_176, %sub3A_178 : vector<16xi32>
        %sub3A_180 = arith.subi %sub3A_179, %broadcast_in_dim3A_47 : vector<16xi32>
        %ge3A = arith.constant 0 : i32
        %ge3A_181 = vector.broadcast %ge3A : i32 to vector<16xi32>
        %ge3A_182 = arith.cmpi sge, %sub3A_180, %ge3A_181 : vector<16xi32>
        %lt3A_183 = arith.constant 160 : i32
        %lt3A_184 = vector.broadcast %lt3A_183 : i32 to vector<16xi32>
        %lt3A_185 = arith.cmpi slt, %sub3A_180, %lt3A_184 : vector<16xi32>
        %and3A_186 = arith.andi %ge3A_182, %lt3A_185 : vector<16xi1>
        %mul3A_187 = arith.constant 16 : i32
        %mul3A_188 = arith.muli %while3A_154, %mul3A_187 : i32
        %add3A_189 = vector.broadcast %mul3A_188 : i32 to vector<16xi32>
        %add3A_190 = arith.addi %add3A_51, %add3A_189 : vector<16xi32>
        %jit3A_191 = arith.constant 0 : i32
        %jit3A_192 = arith.constant 159 : i32
        %max3A = vector.broadcast %jit3A_191 : i32 to vector<16xi32>
        %max3A_193 = arith.maxsi %max3A, %sub3A_180 : vector<16xi32>
        %min3A_194 = vector.broadcast %jit3A_192 : i32 to vector<16xi32>
        %min3A_195 = arith.minsi %min3A_194, %max3A_193 : vector<16xi32>
        tpu.vector_store_idx %arg7[%min3A_195], %add3A_190 masked %and3A_186 : memref<160xi32, #tpu.memory_space<vmem>>[vector<16xi32>], vector<16xi32>, vector<16xi1>
        %all_reduce_population_count3A = tpu.all_reduce %eq3A_161 {dim = 0 : i64, kind = #tpu.reduction_kind<sum>} : vector<16xi1> -> vector<16xi32>
        %add3A_196 = arith.addi %while3A_155, %all_reduce_population_count3A : vector<16xi32>
        scf.yield %add3A_196 : vector<16xi32>
      }
      %while3A_152 = arith.constant 1 : i32
      %while3A_153 = scf.for %while3A_154 = %while3A_149 to %while3A_145 step %while3A_152 iter_args(%while3A_155 = %while3A_151) -> (vector<16xi32>)  : i32 {
        %mul3A_156 = arith.constant 16 : i32
        %mul3A_157 = arith.muli %while3A_154, %mul3A_156 : i32
        %get3A = arith.index_cast %mul3A_157 : i32 to index
        %get3A_158 = tpu.vector_load %arg6[%get3A] {strides = array<i32>} : memref<4096xi32, #tpu.memory_space<vmem>>, vector<16xi32>,
        %eq3A_159 = arith.constant 0 : i32
        %eq3A_160 = vector.broadcast %eq3A_159 : i32 to vector<16xi32>
        %eq3A_161 = arith.cmpi eq, %get3A_158, %eq3A_160 : vector<16xi32>
        %convert_element_type3A_162 = arith.extui %eq3A_161 : vector<16xi1> to vector<16xi32>
        %broadcast_in_dim3A_163 = arith.constant true
        %broadcast_in_dim3A_164 = vector.broadcast %broadcast_in_dim3A_163 : i1 to vector<16xi1>
        %masked_cumsum3A = tpu.scan <sum>, %convert_element_type3A_162 masked %broadcast_in_dim3A_164 : vector<16xi32>, vector<16xi1> -> vector<16xi32>
        %mul3A_165 = arith.constant 16 : i32
        %mul3A_166 = arith.muli %while3A_154, %mul3A_165 : i32
        %add3A_167 = vector.broadcast %mul3A_166 : i32 to vector<16xi32>
        %add3A_168 = arith.addi %add3A_167, %iota3A : vector<16xi32>
        %add3A_169 = arith.addi %while3A_155, %masked_cumsum3A : vector<16xi32>
        %add3A_170 = arith.addi %scan3A_42, %add3A_168 : vector<16xi32>
        %add3A_171 = arith.constant 1 : i32
        %add3A_172 = vector.broadcast %add3A_171 : i32 to vector<16xi32>
        %add3A_173 = arith.addi %add3A_170, %add3A_172 : vector<16xi32>
        %sub3A_174 = arith.subi %add3A_173, %while3A_155 : vector<16xi32>
        %sub3A_175 = arith.subi %sub3A_174, %masked_cumsum3A : vector<16xi32>
        %select_n3A_176 = arith.select %eq3A_161, %add3A_169, %sub3A_175 : vector<16xi1>, vector<16xi32>
        %sub3A_177 = arith.constant 1 : i32
        %sub3A_178 = vector.broadcast %sub3A_177 : i32 to vector<16xi32>
        %sub3A_179 = arith.subi %select_n3A_176, %sub3A_178 : vector<16xi32>
        %sub3A_180 = arith.subi %sub3A_179, %broadcast_in_dim3A_47 : vector<16xi32>
        %ge3A = arith.constant 0 : i32
        %ge3A_181 = vector.broadcast %ge3A : i32 to vector<16xi32>
        %ge3A_182 = arith.cmpi sge, %sub3A_180, %ge3A_181 : vector<16xi32>
        %lt3A_183 = arith.constant 160 : i32
        %lt3A_184 = vector.broadcast %lt3A_183 : i32 to vector<16xi32>
        %lt3A_185 = arith.cmpi slt, %sub3A_180, %lt3A_184 : vector<16xi32>
        %and3A_186 = arith.andi %ge3A_182, %lt3A_185 : vector<16xi1>
        %mul3A_187 = arith.constant 16 : i32
        %mul3A_188 = arith.muli %while3A_154, %mul3A_187 : i32
        %add3A_189 = vector.broadcast %mul3A_188 : i32 to vector<16xi32>
        %add3A_190 = arith.addi %add3A_51, %add3A_189 : vector<16xi32>
        %jit3A_191 = arith.constant 0 : i32
        %jit3A_192 = arith.constant 159 : i32
        %max3A = vector.broadcast %jit3A_191 : i32 to vector<16xi32>
        %max3A_193 = arith.maxsi %max3A, %sub3A_180 : vector<16xi32>
        %min3A_194 = vector.broadcast %jit3A_192 : i32 to vector<16xi32>
        %min3A_195 = arith.minsi %min3A_194, %max3A_193 : vector<16xi32>
        tpu.vector_store_idx %arg7[%min3A_195], %add3A_190 masked %and3A_186 : memref<160xi32, #tpu.memory_space<vmem>>[vector<16xi32>], vector<16xi32>, vector<16xi1>
        %all_reduce_population_count3A = tpu.all_reduce %eq3A_161 {dim = 0 : i64, kind = #tpu.reduction_kind<sum>} : vector<16xi1> -> vector<16xi32>
        %add3A_196 = arith.addi %while3A_155, %all_reduce_population_count3A : vector<16xi32>
        scf.yield %add3A_196 : vector<16xi32>
      }
    } else {
    }
    %dma_start3A = arith.constant 0 : i32
    %dma_start3A_97 = tpu.memref_slice %arg7[%dma_start3A] : memref<160xi32, #tpu.memory_space<vmem>> -> memref<40xi32, #tpu.memory_space<vmem>>
    %dma_start3A_98 = arith.constant 0 : i32
    %dma_start3A_99 = arith.constant 0 : i32
    %dma_start3A_100 = tpu.memref_slice %arg3[%dma_start3A_98, %dma_start3A_99] : memref<16384x512xf32, #tpu.memory_space<hbm>> -> memref<16384x512xf32, #tpu.memory_space<hbm>>
    tpu.enqueue_indirect_dma source(%dma_start3A_100 : memref<16384x512xf32, #tpu.memory_space<hbm>>) target(%arg8 : memref<40x512xf32, #tpu.memory_space<vmem>>) offsets(%dma_start3A_97 : memref<40xi32, #tpu.memory_space<vmem>>) semaphore(%arg11 : memref<!tpu.dma_semaphore, #tpu.memory_space<semaphore_mem>>)
    %dma_start3A_101 = arith.constant 40 : i32
    %dma_start3A_102 = tpu.memref_slice %arg7[%dma_start3A_101] : memref<160xi32, #tpu.memory_space<vmem>> -> memref<40xi32, #tpu.memory_space<vmem>>
    %dma_start3A_103 = arith.constant 0 : i32
    %dma_start3A_104 = arith.constant 0 : i32
    %dma_start3A_105 = tpu.memref_slice %arg3[%dma_start3A_103, %dma_start3A_104] : memref<16384x512xf32, #tpu.memory_space<hbm>> -> memref<16384x512xf32, #tpu.memory_space<hbm>>
    tpu.enqueue_indirect_dma source(%dma_start3A_105 : memref<16384x512xf32, #tpu.memory_space<hbm>>) target(%arg9 : memref<40x512xf32, #tpu.memory_space<vmem>>) offsets(%dma_start3A_102 : memref<40xi32, #tpu.memory_space<vmem>>) semaphore(%arg12 : memref<!tpu.dma_semaphore, #tpu.memory_space<semaphore_mem>>)
    %dma_wait3A = arith.constant 0 : i32
    %dma_wait3A_106 = tpu.memref_slice %arg7[%dma_wait3A] : memref<160xi32, #tpu.memory_space<vmem>> -> memref<40xi32, #tpu.memory_space<vmem>>
    %dma_wait3A_107 = arith.constant 0 : i32
    %dma_wait3A_108 = arith.constant 0 : i32
    %dma_wait3A_109 = tpu.memref_slice %arg3[%dma_wait3A_107, %dma_wait3A_108] : memref<16384x512xf32, #tpu.memory_space<hbm>> -> memref<16384x512xf32, #tpu.memory_space<hbm>>
    tpu.wait_indirect_dma semaphore(%arg11 : memref<!tpu.dma_semaphore, #tpu.memory_space<semaphore_mem>>) src(%dma_wait3A_109 : memref<16384x512xf32, #tpu.memory_space<hbm>>) dst(%arg8 : memref<40x512xf32, #tpu.memory_space<vmem>>)
    %add3A_110 = arith.constant 0 : i32
    %add3A_111 = arith.addi %add3A_35, %add3A_110 : i32
    "tpu.region"() ({
      %run_scoped3A = tpu.sem_alloc : memref<!tpu.dma_semaphore, #tpu.memory_space<semaphore_mem>>
      %dma_start3A_143 = arith.constant 0 : i32
      %dma_start3A_144 = tpu.memref_slice %arg4[%add3A_111, %dma_start3A_143] : memref<5120x512xf32, #tpu.memory_space<hbm>> -> memref<40x512xf32, #tpu.memory_space<hbm>>
      %dma_start3A_145 = arith.constant 0 : i32
      %dma_start3A_146 = tpu.memref_slice %arg4[%add3A_111, %dma_start3A_145] : memref<5120x512xf32, #tpu.memory_space<hbm>> -> memref<40x512xf32, #tpu.memory_space<hbm>>
      tpu.enqueue_dma source(%arg8 : memref<40x512xf32, #tpu.memory_space<vmem>>) target(%dma_start3A_146 : memref<40x512xf32, #tpu.memory_space<hbm>>) target_semaphore(%run_scoped3A : memref<!tpu.dma_semaphore, #tpu.memory_space<semaphore_mem>>)
      %dma_wait3A_147 = arith.constant 0 : i32
      %dma_wait3A_148 = tpu.memref_slice %arg4[%add3A_111, %dma_wait3A_147] : memref<5120x512xf32, #tpu.memory_space<hbm>> -> memref<40x512xf32, #tpu.memory_space<hbm>>
      %dma_wait3A_149 = arith.constant 0 : i32
      %dma_wait3A_150 = tpu.memref_slice %arg4[%add3A_111, %dma_wait3A_149] : memref<5120x512xf32, #tpu.memory_space<hbm>> -> memref<40x512xf32, #tpu.memory_space<hbm>>
      tpu.wait_dma2 semaphore(%run_scoped3A : memref<!tpu.dma_semaphore, #tpu.memory_space<semaphore_mem>>) src(%arg8 : memref<40x512xf32, #tpu.memory_space<vmem>>) dst(%dma_wait3A_150 : memref<40x512xf32, #tpu.memory_space<hbm>>)
      tpu.yield
    }) : () -> ()
    %dma_start3A_112 = arith.constant 80 : i32
    %dma_start3A_113 = tpu.memref_slice %arg7[%dma_start3A_112] : memref<160xi32, #tpu.memory_space<vmem>> -> memref<40xi32, #tpu.memory_space<vmem>>
    %dma_start3A_114 = arith.constant 0 : i32
    %dma_start3A_115 = arith.constant 0 : i32
    %dma_start3A_116 = tpu.memref_slice %arg3[%dma_start3A_114, %dma_start3A_115] : memref<16384x512xf32, #tpu.memory_space<hbm>> -> memref<16384x512xf32, #tpu.memory_space<hbm>>
    tpu.enqueue_indirect_dma source(%dma_start3A_116 : memref<16384x512xf32, #tpu.memory_space<hbm>>) target(%arg8 : memref<40x512xf32, #tpu.memory_space<vmem>>) offsets(%dma_start3A_113 : memref<40xi32, #tpu.memory_space<vmem>>) semaphore(%arg11 : memref<!tpu.dma_semaphore, #tpu.memory_space<semaphore_mem>>)
    %dma_wait3A_117 = arith.constant 40 : i32
    %dma_wait3A_118 = tpu.memref_slice %arg7[%dma_wait3A_117] : memref<160xi32, #tpu.memory_space<vmem>> -> memref<40xi32, #tpu.memory_space<vmem>>
    %dma_wait3A_119 = arith.constant 0 : i32
    %dma_wait3A_120 = arith.constant 0 : i32
    %dma_wait3A_121 = tpu.memref_slice %arg3[%dma_wait3A_119, %dma_wait3A_120] : memref<16384x512xf32, #tpu.memory_space<hbm>> -> memref<16384x512xf32, #tpu.memory_space<hbm>>
    tpu.wait_indirect_dma semaphore(%arg12 : memref<!tpu.dma_semaphore, #tpu.memory_space<semaphore_mem>>) src(%dma_wait3A_121 : memref<16384x512xf32, #tpu.memory_space<hbm>>) dst(%arg9 : memref<40x512xf32, #tpu.memory_space<vmem>>)
    %add3A_122 = arith.constant 40 : i32
    %add3A_123 = arith.addi %add3A_35, %add3A_122 : i32
    "tpu.region"() ({
      %run_scoped3A = tpu.sem_alloc : memref<!tpu.dma_semaphore, #tpu.memory_space<semaphore_mem>>
      %dma_start3A_143 = arith.constant 0 : i32
      %dma_start3A_144 = tpu.memref_slice %arg4[%add3A_123, %dma_start3A_143] : memref<5120x512xf32, #tpu.memory_space<hbm>> -> memref<40x512xf32, #tpu.memory_space<hbm>>
      %dma_start3A_145 = arith.constant 0 : i32
      %dma_start3A_146 = tpu.memref_slice %arg4[%add3A_123, %dma_start3A_145] : memref<5120x512xf32, #tpu.memory_space<hbm>> -> memref<40x512xf32, #tpu.memory_space<hbm>>
      tpu.enqueue_dma source(%arg9 : memref<40x512xf32, #tpu.memory_space<vmem>>) target(%dma_start3A_146 : memref<40x512xf32, #tpu.memory_space<hbm>>) target_semaphore(%run_scoped3A : memref<!tpu.dma_semaphore, #tpu.memory_space<semaphore_mem>>)
      %dma_wait3A_147 = arith.constant 0 : i32
      %dma_wait3A_148 = tpu.memref_slice %arg4[%add3A_123, %dma_wait3A_147] : memref<5120x512xf32, #tpu.memory_space<hbm>> -> memref<40x512xf32, #tpu.memory_space<hbm>>
      %dma_wait3A_149 = arith.constant 0 : i32
      %dma_wait3A_150 = tpu.memref_slice %arg4[%add3A_123, %dma_wait3A_149] : memref<5120x512xf32, #tpu.memory_space<hbm>> -> memref<40x512xf32, #tpu.memory_space<hbm>>
      tpu.wait_dma2 semaphore(%run_scoped3A : memref<!tpu.dma_semaphore, #tpu.memory_space<semaphore_mem>>) src(%arg9 : memref<40x512xf32, #tpu.memory_space<vmem>>) dst(%dma_wait3A_150 : memref<40x512xf32, #tpu.memory_space<hbm>>)
      tpu.yield
    }) : () -> ()
    %dma_start3A_124 = arith.constant 120 : i32
    %dma_start3A_125 = tpu.memref_slice %arg7[%dma_start3A_124] : memref<160xi32, #tpu.memory_space<vmem>> -> memref<40xi32, #tpu.memory_space<vmem>>
    %dma_start3A_126 = arith.constant 0 : i32
    %dma_start3A_127 = arith.constant 0 : i32
    %dma_start3A_128 = tpu.memref_slice %arg3[%dma_start3A_126, %dma_start3A_127] : memref<16384x512xf32, #tpu.memory_space<hbm>> -> memref<16384x512xf32, #tpu.memory_space<hbm>>
    tpu.enqueue_indirect_dma source(%dma_start3A_128 : memref<16384x512xf32, #tpu.memory_space<hbm>>) target(%arg9 : memref<40x512xf32, #tpu.memory_space<vmem>>) offsets(%dma_start3A_125 : memref<40xi32, #tpu.memory_space<vmem>>) semaphore(%arg12 : memref<!tpu.dma_semaphore, #tpu.memory_space<semaphore_mem>>)
    %dma_wait3A_129 = arith.constant 80 : i32
    %dma_wait3A_130 = tpu.memref_slice %arg7[%dma_wait3A_129] : memref<160xi32, #tpu.memory_space<vmem>> -> memref<40xi32, #tpu.memory_space<vmem>>
    %dma_wait3A_131 = arith.constant 0 : i32
    %dma_wait3A_132 = arith.constant 0 : i32
    %dma_wait3A_133 = tpu.memref_slice %arg3[%dma_wait3A_131, %dma_wait3A_132] : memref<16384x512xf32, #tpu.memory_space<hbm>> -> memref<16384x512xf32, #tpu.memory_space<hbm>>
    tpu.wait_indirect_dma semaphore(%arg11 : memref<!tpu.dma_semaphore, #tpu.memory_space<semaphore_mem>>) src(%dma_wait3A_133 : memref<16384x512xf32, #tpu.memory_space<hbm>>) dst(%arg8 : memref<40x512xf32, #tpu.memory_space<vmem>>)
    %add3A_134 = arith.constant 80 : i32
    %add3A_135 = arith.addi %add3A_35, %add3A_134 : i32
    "tpu.region"() ({
      %run_scoped3A = tpu.sem_alloc : memref<!tpu.dma_semaphore, #tpu.memory_space<semaphore_mem>>
      %dma_start3A_143 = arith.constant 0 : i32
      %dma_start3A_144 = tpu.memref_slice %arg4[%add3A_135, %dma_start3A_143] : memref<5120x512xf32, #tpu.memory_space<hbm>> -> memref<40x512xf32, #tpu.memory_space<hbm>>
      %dma_start3A_145 = arith.constant 0 : i32
      %dma_start3A_146 = tpu.memref_slice %arg4[%add3A_135, %dma_start3A_145] : memref<5120x512xf32, #tpu.memory_space<hbm>> -> memref<40x512xf32, #tpu.memory_space<hbm>>
      tpu.enqueue_dma source(%arg8 : memref<40x512xf32, #tpu.memory_space<vmem>>) target(%dma_start3A_146 : memref<40x512xf32, #tpu.memory_space<hbm>>) target_semaphore(%run_scoped3A : memref<!tpu.dma_semaphore, #tpu.memory_space<semaphore_mem>>)
      %dma_wait3A_147 = arith.constant 0 : i32
      %dma_wait3A_148 = tpu.memref_slice %arg4[%add3A_135, %dma_wait3A_147] : memref<5120x512xf32, #tpu.memory_space<hbm>> -> memref<40x512xf32, #tpu.memory_space<hbm>>
      %dma_wait3A_149 = arith.constant 0 : i32
      %dma_wait3A_150 = tpu.memref_slice %arg4[%add3A_135, %dma_wait3A_149] : memref<5120x512xf32, #tpu.memory_space<hbm>> -> memref<40x512xf32, #tpu.memory_space<hbm>>
      tpu.wait_dma2 semaphore(%run_scoped3A : memref<!tpu.dma_semaphore, #tpu.memory_space<semaphore_mem>>) src(%arg8 : memref<40x512xf32, #tpu.memory_space<vmem>>) dst(%dma_wait3A_150 : memref<40x512xf32, #tpu.memory_space<hbm>>)
      tpu.yield
    }) : () -> ()
    %dma_wait3A_136 = arith.constant 120 : i32
    %dma_wait3A_137 = tpu.memref_slice %arg7[%dma_wait3A_136] : memref<160xi32, #tpu.memory_space<vmem>> -> memref<40xi32, #tpu.memory_space<vmem>>
    %dma_wait3A_138 = arith.constant 0 : i32
    %dma_wait3A_139 = arith.constant 0 : i32
    %dma_wait3A_140 = tpu.memref_slice %arg3[%dma_wait3A_138, %dma_wait3A_139] : memref<16384x512xf32, #tpu.memory_space<hbm>> -> memref<16384x512xf32, #tpu.memory_space<hbm>>
    tpu.wait_indirect_dma semaphore(%arg12 : memref<!tpu.dma_semaphore, #tpu.memory_space<semaphore_mem>>) src(%dma_wait3A_140 : memref<16384x512xf32, #tpu.memory_space<hbm>>) dst(%arg9 : memref<40x512xf32, #tpu.memory_space<vmem>>)
    %add3A_141 = arith.constant 120 : i32
    %add3A_142 = arith.addi %add3A_35, %add3A_141 : i32
    "tpu.region"() ({
      %run_scoped3A = tpu.sem_alloc : memref<!tpu.dma_semaphore, #tpu.memory_space<semaphore_mem>>
      %dma_start3A_143 = arith.constant 0 : i32
      %dma_start3A_144 = tpu.memref_slice %arg4[%add3A_142, %dma_start3A_143] : memref<5120x512xf32, #tpu.memory_space<hbm>> -> memref<40x512xf32, #tpu.memory_space<hbm>>
      %dma_start3A_145 = arith.constant 0 : i32
      %dma_start3A_146 = tpu.memref_slice %arg4[%add3A_142, %dma_start3A_145] : memref<5120x512xf32, #tpu.memory_space<hbm>> -> memref<40x512xf32, #tpu.memory_space<hbm>>
      tpu.enqueue_dma source(%arg9 : memref<40x512xf32, #tpu.memory_space<vmem>>) target(%dma_start3A_146 : memref<40x512xf32, #tpu.memory_space<hbm>>) target_semaphore(%run_scoped3A : memref<!tpu.dma_semaphore, #tpu.memory_space<semaphore_mem>>)
      %dma_wait3A_147 = arith.constant 0 : i32
      %dma_wait3A_148 = tpu.memref_slice %arg4[%add3A_142, %dma_wait3A_147] : memref<5120x512xf32, #tpu.memory_space<hbm>> -> memref<40x512xf32, #tpu.memory_space<hbm>>
      %dma_wait3A_149 = arith.constant 0 : i32
      %dma_wait3A_150 = tpu.memref_slice %arg4[%add3A_142, %dma_wait3A_149] : memref<5120x512xf32, #tpu.memory_space<hbm>> -> memref<40x512xf32, #tpu.memory_space<hbm>>
      tpu.wait_dma2 semaphore(%run_scoped3A : memref<!tpu.dma_semaphore, #tpu.memory_space<semaphore_mem>>) src(%arg9 : memref<40x512xf32, #tpu.memory_space<vmem>>) dst(%dma_wait3A_150 : memref<40x512xf32, #tpu.memory_space<hbm>>)
      tpu.yield
    }) : () -> ()
    return
  }
}

module attributes {stable_mosaic.version = 14 : i64} {
  func.func @_tc_body(%arg0: memref<5120x512xf32, #tpu.memory_space<any>>, %arg1: memref<512x1024xf32, #tpu.memory_space<any>>, %arg2: memref<512x512xf32, #tpu.memory_space<any>>, %arg3: memref<512x1024xf32, #tpu.memory_space<any>>, %arg4: memref<1x1024xf32, #tpu.memory_space<vmem>>, %arg5: memref<1x512xf32, #tpu.memory_space<vmem>>, %arg6: memref<1x1024xf32, #tpu.memory_space<vmem>>, %arg7: memref<1x512xf32, #tpu.memory_space<vmem>>, %arg8: memref<1x512xf32, #tpu.memory_space<vmem>>, %arg9: memref<4x16xi32, #tpu.memory_space<smem>>, %arg10: memref<4x1024xf32, #tpu.memory_space<vmem>>, %arg11: memref<5120x512xf32, #tpu.memory_space<vmem>>, %arg12: memref<5120x512xf32, #tpu.memory_space<vmem>>, %arg13: memref<512x1024xf32, #tpu.memory_space<vmem>>, %arg14: memref<512x512xf32, #tpu.memory_space<vmem>>, %arg15: memref<512x1024xf32, #tpu.memory_space<vmem>>, %arg16: memref<8x!tpu.dma_semaphore, #tpu.memory_space<semaphore_mem>>, %arg17: memref<3x!tpu.dma_semaphore, #tpu.memory_space<semaphore_mem>>) attributes {dimension_semantics = [], scalar_prefetch = 0 : i64, scratch_operands = 7 : i64, tpu.core_type = #tpu.core_type<tc>} {
    %dma_start3A = arith.constant 0 : i32
    %dma_start3A_0 = tpu.memref_slice %arg17[%dma_start3A] : memref<3x!tpu.dma_semaphore, #tpu.memory_space<semaphore_mem>> -> memref<1x!tpu.dma_semaphore, #tpu.memory_space<semaphore_mem>>
    %dma_start3A_1 = tpu.memref_squeeze %dma_start3A_0 : memref<1x!tpu.dma_semaphore, #tpu.memory_space<semaphore_mem>> -> memref<!tpu.dma_semaphore, #tpu.memory_space<semaphore_mem>>
    tpu.enqueue_dma source(%arg2 : memref<512x512xf32, #tpu.memory_space<any>>) target(%arg14 : memref<512x512xf32, #tpu.memory_space<vmem>>) target_semaphore(%dma_start3A_1 : memref<!tpu.dma_semaphore, #tpu.memory_space<semaphore_mem>>)
    %dma_start3A_2 = arith.constant 0 : i32
    %dma_start3A_3 = tpu.memref_slice %arg16[%dma_start3A_2] : memref<8x!tpu.dma_semaphore, #tpu.memory_space<semaphore_mem>> -> memref<1x!tpu.dma_semaphore, #tpu.memory_space<semaphore_mem>>
    %dma_start3A_4 = tpu.memref_squeeze %dma_start3A_3 : memref<1x!tpu.dma_semaphore, #tpu.memory_space<semaphore_mem>> -> memref<!tpu.dma_semaphore, #tpu.memory_space<semaphore_mem>>
    %dma_start3A_5 = arith.constant 0 : i32
    %dma_start3A_6 = arith.constant 0 : i32
    %dma_start3A_7 = tpu.memref_slice %arg11[%dma_start3A_5, %dma_start3A_6] : memref<5120x512xf32, #tpu.memory_space<vmem>> -> memref<640x512xf32, #tpu.memory_space<vmem>>
    %dma_start3A_8 = arith.constant 0 : i32
    %dma_start3A_9 = arith.constant 0 : i32
    %dma_start3A_10 = tpu.memref_slice %arg0[%dma_start3A_8, %dma_start3A_9] : memref<5120x512xf32, #tpu.memory_space<any>> -> memref<640x512xf32, #tpu.memory_space<any>>
    tpu.enqueue_dma source(%dma_start3A_10 : memref<640x512xf32, #tpu.memory_space<any>>) target(%dma_start3A_7 : memref<640x512xf32, #tpu.memory_space<vmem>>) target_semaphore(%dma_start3A_4 : memref<!tpu.dma_semaphore, #tpu.memory_space<semaphore_mem>>)
    %dma_start3A_11 = arith.constant 1 : i32
    %dma_start3A_12 = tpu.memref_slice %arg16[%dma_start3A_11] : memref<8x!tpu.dma_semaphore, #tpu.memory_space<semaphore_mem>> -> memref<1x!tpu.dma_semaphore, #tpu.memory_space<semaphore_mem>>
    %dma_start3A_13 = tpu.memref_squeeze %dma_start3A_12 : memref<1x!tpu.dma_semaphore, #tpu.memory_space<semaphore_mem>> -> memref<!tpu.dma_semaphore, #tpu.memory_space<semaphore_mem>>
    %dma_start3A_14 = arith.constant 640 : i32
    %dma_start3A_15 = arith.constant 0 : i32
    %dma_start3A_16 = tpu.memref_slice %arg11[%dma_start3A_14, %dma_start3A_15] : memref<5120x512xf32, #tpu.memory_space<vmem>> -> memref<640x512xf32, #tpu.memory_space<vmem>>
    %dma_start3A_17 = arith.constant 640 : i32
    %dma_start3A_18 = arith.constant 0 : i32
    %dma_start3A_19 = tpu.memref_slice %arg0[%dma_start3A_17, %dma_start3A_18] : memref<5120x512xf32, #tpu.memory_space<any>> -> memref<640x512xf32, #tpu.memory_space<any>>
    tpu.enqueue_dma source(%dma_start3A_19 : memref<640x512xf32, #tpu.memory_space<any>>) target(%dma_start3A_16 : memref<640x512xf32, #tpu.memory_space<vmem>>) target_semaphore(%dma_start3A_13 : memref<!tpu.dma_semaphore, #tpu.memory_space<semaphore_mem>>)
    %dma_start3A_20 = arith.constant 2 : i32
    %dma_start3A_21 = tpu.memref_slice %arg16[%dma_start3A_20] : memref<8x!tpu.dma_semaphore, #tpu.memory_space<semaphore_mem>> -> memref<1x!tpu.dma_semaphore, #tpu.memory_space<semaphore_mem>>
    %dma_start3A_22 = tpu.memref_squeeze %dma_start3A_21 : memref<1x!tpu.dma_semaphore, #tpu.memory_space<semaphore_mem>> -> memref<!tpu.dma_semaphore, #tpu.memory_space<semaphore_mem>>
    %dma_start3A_23 = arith.constant 1280 : i32
    %dma_start3A_24 = arith.constant 0 : i32
    %dma_start3A_25 = tpu.memref_slice %arg11[%dma_start3A_23, %dma_start3A_24] : memref<5120x512xf32, #tpu.memory_space<vmem>> -> memref<640x512xf32, #tpu.memory_space<vmem>>
    %dma_start3A_26 = arith.constant 1280 : i32
    %dma_start3A_27 = arith.constant 0 : i32
    %dma_start3A_28 = tpu.memref_slice %arg0[%dma_start3A_26, %dma_start3A_27] : memref<5120x512xf32, #tpu.memory_space<any>> -> memref<640x512xf32, #tpu.memory_space<any>>
    tpu.enqueue_dma source(%dma_start3A_28 : memref<640x512xf32, #tpu.memory_space<any>>) target(%dma_start3A_25 : memref<640x512xf32, #tpu.memory_space<vmem>>) target_semaphore(%dma_start3A_22 : memref<!tpu.dma_semaphore, #tpu.memory_space<semaphore_mem>>)
    %dma_start3A_29 = arith.constant 3 : i32
    %dma_start3A_30 = tpu.memref_slice %arg16[%dma_start3A_29] : memref<8x!tpu.dma_semaphore, #tpu.memory_space<semaphore_mem>> -> memref<1x!tpu.dma_semaphore, #tpu.memory_space<semaphore_mem>>
    %dma_start3A_31 = tpu.memref_squeeze %dma_start3A_30 : memref<1x!tpu.dma_semaphore, #tpu.memory_space<semaphore_mem>> -> memref<!tpu.dma_semaphore, #tpu.memory_space<semaphore_mem>>
    %dma_start3A_32 = arith.constant 1920 : i32
    %dma_start3A_33 = arith.constant 0 : i32
    %dma_start3A_34 = tpu.memref_slice %arg11[%dma_start3A_32, %dma_start3A_33] : memref<5120x512xf32, #tpu.memory_space<vmem>> -> memref<640x512xf32, #tpu.memory_space<vmem>>
    %dma_start3A_35 = arith.constant 1920 : i32
    %dma_start3A_36 = arith.constant 0 : i32
    %dma_start3A_37 = tpu.memref_slice %arg0[%dma_start3A_35, %dma_start3A_36] : memref<5120x512xf32, #tpu.memory_space<any>> -> memref<640x512xf32, #tpu.memory_space<any>>
    tpu.enqueue_dma source(%dma_start3A_37 : memref<640x512xf32, #tpu.memory_space<any>>) target(%dma_start3A_34 : memref<640x512xf32, #tpu.memory_space<vmem>>) target_semaphore(%dma_start3A_31 : memref<!tpu.dma_semaphore, #tpu.memory_space<semaphore_mem>>)
    %dma_start3A_38 = arith.constant 4 : i32
    %dma_start3A_39 = tpu.memref_slice %arg16[%dma_start3A_38] : memref<8x!tpu.dma_semaphore, #tpu.memory_space<semaphore_mem>> -> memref<1x!tpu.dma_semaphore, #tpu.memory_space<semaphore_mem>>
    %dma_start3A_40 = tpu.memref_squeeze %dma_start3A_39 : memref<1x!tpu.dma_semaphore, #tpu.memory_space<semaphore_mem>> -> memref<!tpu.dma_semaphore, #tpu.memory_space<semaphore_mem>>
    %dma_start3A_41 = arith.constant 2560 : i32
    %dma_start3A_42 = arith.constant 0 : i32
    %dma_start3A_43 = tpu.memref_slice %arg11[%dma_start3A_41, %dma_start3A_42] : memref<5120x512xf32, #tpu.memory_space<vmem>> -> memref<640x512xf32, #tpu.memory_space<vmem>>
    %dma_start3A_44 = arith.constant 2560 : i32
    %dma_start3A_45 = arith.constant 0 : i32
    %dma_start3A_46 = tpu.memref_slice %arg0[%dma_start3A_44, %dma_start3A_45] : memref<5120x512xf32, #tpu.memory_space<any>> -> memref<640x512xf32, #tpu.memory_space<any>>
    tpu.enqueue_dma source(%dma_start3A_46 : memref<640x512xf32, #tpu.memory_space<any>>) target(%dma_start3A_43 : memref<640x512xf32, #tpu.memory_space<vmem>>) target_semaphore(%dma_start3A_40 : memref<!tpu.dma_semaphore, #tpu.memory_space<semaphore_mem>>)
    %dma_start3A_47 = arith.constant 5 : i32
    %dma_start3A_48 = tpu.memref_slice %arg16[%dma_start3A_47] : memref<8x!tpu.dma_semaphore, #tpu.memory_space<semaphore_mem>> -> memref<1x!tpu.dma_semaphore, #tpu.memory_space<semaphore_mem>>
    %dma_start3A_49 = tpu.memref_squeeze %dma_start3A_48 : memref<1x!tpu.dma_semaphore, #tpu.memory_space<semaphore_mem>> -> memref<!tpu.dma_semaphore, #tpu.memory_space<semaphore_mem>>
    %dma_start3A_50 = arith.constant 3200 : i32
    %dma_start3A_51 = arith.constant 0 : i32
    %dma_start3A_52 = tpu.memref_slice %arg11[%dma_start3A_50, %dma_start3A_51] : memref<5120x512xf32, #tpu.memory_space<vmem>> -> memref<640x512xf32, #tpu.memory_space<vmem>>
    %dma_start3A_53 = arith.constant 3200 : i32
    %dma_start3A_54 = arith.constant 0 : i32
    %dma_start3A_55 = tpu.memref_slice %arg0[%dma_start3A_53, %dma_start3A_54] : memref<5120x512xf32, #tpu.memory_space<any>> -> memref<640x512xf32, #tpu.memory_space<any>>
    tpu.enqueue_dma source(%dma_start3A_55 : memref<640x512xf32, #tpu.memory_space<any>>) target(%dma_start3A_52 : memref<640x512xf32, #tpu.memory_space<vmem>>) target_semaphore(%dma_start3A_49 : memref<!tpu.dma_semaphore, #tpu.memory_space<semaphore_mem>>)
    %dma_start3A_56 = arith.constant 6 : i32
    %dma_start3A_57 = tpu.memref_slice %arg16[%dma_start3A_56] : memref<8x!tpu.dma_semaphore, #tpu.memory_space<semaphore_mem>> -> memref<1x!tpu.dma_semaphore, #tpu.memory_space<semaphore_mem>>
    %dma_start3A_58 = tpu.memref_squeeze %dma_start3A_57 : memref<1x!tpu.dma_semaphore, #tpu.memory_space<semaphore_mem>> -> memref<!tpu.dma_semaphore, #tpu.memory_space<semaphore_mem>>
    %dma_start3A_59 = arith.constant 3840 : i32
    %dma_start3A_60 = arith.constant 0 : i32
    %dma_start3A_61 = tpu.memref_slice %arg11[%dma_start3A_59, %dma_start3A_60] : memref<5120x512xf32, #tpu.memory_space<vmem>> -> memref<640x512xf32, #tpu.memory_space<vmem>>
    %dma_start3A_62 = arith.constant 3840 : i32
    %dma_start3A_63 = arith.constant 0 : i32
    %dma_start3A_64 = tpu.memref_slice %arg0[%dma_start3A_62, %dma_start3A_63] : memref<5120x512xf32, #tpu.memory_space<any>> -> memref<640x512xf32, #tpu.memory_space<any>>
    tpu.enqueue_dma source(%dma_start3A_64 : memref<640x512xf32, #tpu.memory_space<any>>) target(%dma_start3A_61 : memref<640x512xf32, #tpu.memory_space<vmem>>) target_semaphore(%dma_start3A_58 : memref<!tpu.dma_semaphore, #tpu.memory_space<semaphore_mem>>)
    %dma_start3A_65 = arith.constant 7 : i32
    %dma_start3A_66 = tpu.memref_slice %arg16[%dma_start3A_65] : memref<8x!tpu.dma_semaphore, #tpu.memory_space<semaphore_mem>> -> memref<1x!tpu.dma_semaphore, #tpu.memory_space<semaphore_mem>>
    %dma_start3A_67 = tpu.memref_squeeze %dma_start3A_66 : memref<1x!tpu.dma_semaphore, #tpu.memory_space<semaphore_mem>> -> memref<!tpu.dma_semaphore, #tpu.memory_space<semaphore_mem>>
    %dma_start3A_68 = arith.constant 4480 : i32
    %dma_start3A_69 = arith.constant 0 : i32
    %dma_start3A_70 = tpu.memref_slice %arg11[%dma_start3A_68, %dma_start3A_69] : memref<5120x512xf32, #tpu.memory_space<vmem>> -> memref<640x512xf32, #tpu.memory_space<vmem>>
    %dma_start3A_71 = arith.constant 4480 : i32
    %dma_start3A_72 = arith.constant 0 : i32
    %dma_start3A_73 = tpu.memref_slice %arg0[%dma_start3A_71, %dma_start3A_72] : memref<5120x512xf32, #tpu.memory_space<any>> -> memref<640x512xf32, #tpu.memory_space<any>>
    tpu.enqueue_dma source(%dma_start3A_73 : memref<640x512xf32, #tpu.memory_space<any>>) target(%dma_start3A_70 : memref<640x512xf32, #tpu.memory_space<vmem>>) target_semaphore(%dma_start3A_67 : memref<!tpu.dma_semaphore, #tpu.memory_space<semaphore_mem>>)
    %dma_start3A_74 = arith.constant 1 : i32
    %dma_start3A_75 = tpu.memref_slice %arg17[%dma_start3A_74] : memref<3x!tpu.dma_semaphore, #tpu.memory_space<semaphore_mem>> -> memref<1x!tpu.dma_semaphore, #tpu.memory_space<semaphore_mem>>
    %dma_start3A_76 = tpu.memref_squeeze %dma_start3A_75 : memref<1x!tpu.dma_semaphore, #tpu.memory_space<semaphore_mem>> -> memref<!tpu.dma_semaphore, #tpu.memory_space<semaphore_mem>>
    tpu.enqueue_dma source(%arg3 : memref<512x1024xf32, #tpu.memory_space<any>>) target(%arg15 : memref<512x1024xf32, #tpu.memory_space<vmem>>) target_semaphore(%dma_start3A_76 : memref<!tpu.dma_semaphore, #tpu.memory_space<semaphore_mem>>)
    %dma_start3A_77 = arith.constant 2 : i32
    %dma_start3A_78 = tpu.memref_slice %arg17[%dma_start3A_77] : memref<3x!tpu.dma_semaphore, #tpu.memory_space<semaphore_mem>> -> memref<1x!tpu.dma_semaphore, #tpu.memory_space<semaphore_mem>>
    %dma_start3A_79 = tpu.memref_squeeze %dma_start3A_78 : memref<1x!tpu.dma_semaphore, #tpu.memory_space<semaphore_mem>> -> memref<!tpu.dma_semaphore, #tpu.memory_space<semaphore_mem>>
    tpu.enqueue_dma source(%arg1 : memref<512x1024xf32, #tpu.memory_space<any>>) target(%arg13 : memref<512x1024xf32, #tpu.memory_space<vmem>>) target_semaphore(%dma_start3A_79 : memref<!tpu.dma_semaphore, #tpu.memory_space<semaphore_mem>>)
    %dma_wait3A = arith.constant 0 : i32
    %dma_wait3A_80 = tpu.memref_slice %arg17[%dma_wait3A] : memref<3x!tpu.dma_semaphore, #tpu.memory_space<semaphore_mem>> -> memref<1x!tpu.dma_semaphore, #tpu.memory_space<semaphore_mem>>
    %dma_wait3A_81 = tpu.memref_squeeze %dma_wait3A_80 : memref<1x!tpu.dma_semaphore, #tpu.memory_space<semaphore_mem>> -> memref<!tpu.dma_semaphore, #tpu.memory_space<semaphore_mem>>
    tpu.wait_dma2 semaphore(%dma_wait3A_81 : memref<!tpu.dma_semaphore, #tpu.memory_space<semaphore_mem>>) src(%arg2 : memref<512x512xf32, #tpu.memory_space<any>>) dst(%arg14 : memref<512x512xf32, #tpu.memory_space<vmem>>)
    %broadcast_in_dim3A = arith.constant 0.000000e+00 : f32
    %broadcast_in_dim3A_82 = vector.broadcast %broadcast_in_dim3A : f32 to vector<1x512xf32>
    %broadcast_in_dim3A_83 = arith.constant 0.000000e+00 : f32
    %broadcast_in_dim3A_84 = vector.broadcast %broadcast_in_dim3A_83 : f32 to vector<1x512xf32>
    %iota3A = tpu.iota {dimensions = array<i32: 0>} : vector<640x1xi32>
    %lt3A = arith.constant 588 : i32
    %lt3A_85 = vector.broadcast %lt3A : i32 to vector<640x1xi32>
    %lt3A_86 = arith.cmpi slt, %iota3A, %lt3A_85 : vector<640x1xi32>
    %dma_wait3A_87 = arith.constant 0 : i32
    %dma_wait3A_88 = tpu.memref_slice %arg16[%dma_wait3A_87] : memref<8x!tpu.dma_semaphore, #tpu.memory_space<semaphore_mem>> -> memref<1x!tpu.dma_semaphore, #tpu.memory_space<semaphore_mem>>
    %dma_wait3A_89 = tpu.memref_squeeze %dma_wait3A_88 : memref<1x!tpu.dma_semaphore, #tpu.memory_space<semaphore_mem>> -> memref<!tpu.dma_semaphore, #tpu.memory_space<semaphore_mem>>
    %dma_wait3A_90 = arith.constant 0 : i32
    %dma_wait3A_91 = arith.constant 0 : i32
    %dma_wait3A_92 = tpu.memref_slice %arg11[%dma_wait3A_90, %dma_wait3A_91] : memref<5120x512xf32, #tpu.memory_space<vmem>> -> memref<640x512xf32, #tpu.memory_space<vmem>>
    %dma_wait3A_93 = arith.constant 0 : i32
    %dma_wait3A_94 = arith.constant 0 : i32
    %dma_wait3A_95 = tpu.memref_slice %arg0[%dma_wait3A_93, %dma_wait3A_94] : memref<5120x512xf32, #tpu.memory_space<any>> -> memref<640x512xf32, #tpu.memory_space<any>>
    tpu.wait_dma2 semaphore(%dma_wait3A_89 : memref<!tpu.dma_semaphore, #tpu.memory_space<semaphore_mem>>) src(%dma_wait3A_95 : memref<640x512xf32, #tpu.memory_space<any>>) dst(%dma_wait3A_92 : memref<640x512xf32, #tpu.memory_space<vmem>>)
    %get3A = arith.constant 0 : index
    %get3A_96 = arith.constant 0 : index
    %get3A_97 = vector.load %arg11[%get3A, %get3A_96] : memref<5120x512xf32, #tpu.memory_space<vmem>>, vector<640x512xf32>
    %mul3A = arith.mulf %get3A_97, %get3A_97 : vector<640x512xf32>
    %reduce_sum3A = arith.constant dense<0.000000e+00> : vector<640xf32>
    %reduce_sum3A_98 = vector.multi_reduction <add>, %mul3A, %reduce_sum3A [1] : vector<640x512xf32> to vector<640xf32>
    %broadcast_in_dim3A_99 = vector.shape_cast %reduce_sum3A_98 : vector<640xf32> to vector<640x1xf32>
    %sqrt3A = math.sqrt %broadcast_in_dim3A_99 : vector<640x1xf32>
    %max3A = arith.constant 9.99999997E-7 : f32
    %max3A_100 = vector.broadcast %max3A : f32 to vector<640x1xf32>
    %max3A_101 = arith.maximumf %sqrt3A, %max3A_100 : vector<640x1xf32>
    %div3A = vector.broadcast %max3A_101 : vector<640x1xf32> to vector<640x512xf32>
    %div3A_102 = arith.divf %get3A_97, %div3A : vector<640x512xf32>
    %swap3A = arith.constant 0 : index
    %swap3A_103 = arith.constant 0 : index
    %swap3A_104 = vector.load %arg11[%swap3A, %swap3A_103] : memref<5120x512xf32, #tpu.memory_space<vmem>>, vector<640x512xf32>
    tpu.vector_store %arg11[%swap3A, %swap3A_103], %div3A_102 {strides = array<i32>} : memref<5120x512xf32, #tpu.memory_space<vmem>>, vector<640x512xf32>,
    %get3A_105 = arith.constant 0 : index
    %get3A_106 = arith.constant 0 : index
    %get3A_107 = vector.load %arg14[%get3A_105, %get3A_106] : memref<512x512xf32, #tpu.memory_space<vmem>>, vector<512x512xf32>
    %dot_general3A = arith.constant dense<0.000000e+00> : vector<640x512xf32>
    %dot_general3A_108 = tpu.matmul %div3A_102, %get3A_107, %dot_general3A {dimension_numbers = #tpu.dot_dimension_numbers<[1], [0], [0], [1], [0, 0, 1, 1], [], []>, transpose_lhs_hint = false} : vector<640x512xf32>, vector<512x512xf32>, vector<640x512xf32> -> vector<640x512xf32>
    %get3A_109 = arith.constant 0 : index
    %get3A_110 = arith.constant 0 : index
    %get3A_111 = vector.load %arg5[%get3A_109, %get3A_110] : memref<1x512xf32, #tpu.memory_space<vmem>>, vector<1x512xf32>
    %add3A = vector.broadcast %get3A_111 : vector<1x512xf32> to vector<640x512xf32>
    %add3A_112 = arith.addf %dot_general3A_108, %add3A : vector<640x512xf32>
    %reduce_sum3A_113 = arith.constant dense<0.000000e+00> : vector<512xf32>
    %reduce_sum3A_114 = vector.multi_reduction <add>, %add3A_112, %reduce_sum3A_113 [0] : vector<640x512xf32> to vector<512xf32>
    %broadcast_in_dim3A_115 = vector.shape_cast %reduce_sum3A_114 : vector<512xf32> to vector<1x512xf32>
    %add3A_116 = arith.addf %broadcast_in_dim3A_82, %broadcast_in_dim3A_115 : vector<1x512xf32>
    %mul3A_117 = arith.mulf %add3A_112, %add3A_112 : vector<640x512xf32>
    %reduce_sum3A_118 = arith.constant dense<0.000000e+00> : vector<512xf32>
    %reduce_sum3A_119 = vector.multi_reduction <add>, %mul3A_117, %reduce_sum3A_118 [0] : vector<640x512xf32> to vector<512xf32>
    %broadcast_in_dim3A_120 = vector.shape_cast %reduce_sum3A_119 : vector<512xf32> to vector<1x512xf32>
    %add3A_121 = arith.addf %broadcast_in_dim3A_84, %broadcast_in_dim3A_120 : vector<1x512xf32>
    %swap3A_122 = arith.constant 0 : index
    %swap3A_123 = arith.constant 0 : index
    %swap3A_124 = vector.load %arg12[%swap3A_122, %swap3A_123] : memref<5120x512xf32, #tpu.memory_space<vmem>>, vector<640x512xf32>
    tpu.vector_store %arg12[%swap3A_122, %swap3A_123], %add3A_112 {strides = array<i32>} : memref<5120x512xf32, #tpu.memory_space<vmem>>, vector<640x512xf32>,
    %dma_wait3A_125 = arith.constant 1 : i32
    %dma_wait3A_126 = tpu.memref_slice %arg16[%dma_wait3A_125] : memref<8x!tpu.dma_semaphore, #tpu.memory_space<semaphore_mem>> -> memref<1x!tpu.dma_semaphore, #tpu.memory_space<semaphore_mem>>
    %dma_wait3A_127 = tpu.memref_squeeze %dma_wait3A_126 : memref<1x!tpu.dma_semaphore, #tpu.memory_space<semaphore_mem>> -> memref<!tpu.dma_semaphore, #tpu.memory_space<semaphore_mem>>
    %dma_wait3A_128 = arith.constant 640 : i32
    %dma_wait3A_129 = arith.constant 0 : i32
    %dma_wait3A_130 = tpu.memref_slice %arg11[%dma_wait3A_128, %dma_wait3A_129] : memref<5120x512xf32, #tpu.memory_space<vmem>> -> memref<640x512xf32, #tpu.memory_space<vmem>>
    %dma_wait3A_131 = arith.constant 640 : i32
    %dma_wait3A_132 = arith.constant 0 : i32
    %dma_wait3A_133 = tpu.memref_slice %arg0[%dma_wait3A_131, %dma_wait3A_132] : memref<5120x512xf32, #tpu.memory_space<any>> -> memref<640x512xf32, #tpu.memory_space<any>>
    tpu.wait_dma2 semaphore(%dma_wait3A_127 : memref<!tpu.dma_semaphore, #tpu.memory_space<semaphore_mem>>) src(%dma_wait3A_133 : memref<640x512xf32, #tpu.memory_space<any>>) dst(%dma_wait3A_130 : memref<640x512xf32, #tpu.memory_space<vmem>>)
    %get3A_134 = arith.constant 640 : index
    %get3A_135 = arith.constant 0 : index
    %get3A_136 = vector.load %arg11[%get3A_134, %get3A_135] : memref<5120x512xf32, #tpu.memory_space<vmem>>, vector<640x512xf32>
    %jit3A = arith.constant 0.000000e+00 : f32
    %broadcast_in_dim3A_137 = vector.shape_cast %lt3A_86 : vector<640x1xi1> to vector<640x1xi1>
    %broadcast_in_dim3A_138 = vector.broadcast %broadcast_in_dim3A_137 : vector<640x1xi1> to vector<640x512xi1>
    %broadcast_in_dim3A_139 = vector.broadcast %jit3A : f32 to vector<640x512xf32>
    %select_n3A = arith.select %broadcast_in_dim3A_138, %get3A_136, %broadcast_in_dim3A_139 : vector<640x512xi1>, vector<640x512xf32>
    %mul3A_140 = arith.mulf %select_n3A, %select_n3A : vector<640x512xf32>
    %reduce_sum3A_141 = arith.constant dense<0.000000e+00> : vector<640xf32>
    %reduce_sum3A_142 = vector.multi_reduction <add>, %mul3A_140, %reduce_sum3A_141 [1] : vector<640x512xf32> to vector<640xf32>
    %broadcast_in_dim3A_143 = vector.shape_cast %reduce_sum3A_142 : vector<640xf32> to vector<640x1xf32>
    %sqrt3A_144 = math.sqrt %broadcast_in_dim3A_143 : vector<640x1xf32>
    %max3A_145 = arith.constant 9.99999997E-7 : f32
    %max3A_146 = vector.broadcast %max3A_145 : f32 to vector<640x1xf32>
    %max3A_147 = arith.maximumf %sqrt3A_144, %max3A_146 : vector<640x1xf32>
    %div3A_148 = vector.broadcast %max3A_147 : vector<640x1xf32> to vector<640x512xf32>
    %div3A_149 = arith.divf %select_n3A, %div3A_148 : vector<640x512xf32>
    %swap3A_150 = arith.constant 640 : index
    %swap3A_151 = arith.constant 0 : index
    %swap3A_152 = vector.load %arg11[%swap3A_150, %swap3A_151] : memref<5120x512xf32, #tpu.memory_space<vmem>>, vector<640x512xf32>
    tpu.vector_store %arg11[%swap3A_150, %swap3A_151], %div3A_149 {strides = array<i32>} : memref<5120x512xf32, #tpu.memory_space<vmem>>, vector<640x512xf32>,
    %get3A_153 = arith.constant 0 : index
    %get3A_154 = arith.constant 0 : index
    %get3A_155 = vector.load %arg14[%get3A_153, %get3A_154] : memref<512x512xf32, #tpu.memory_space<vmem>>, vector<512x512xf32>
    %dot_general3A_156 = arith.constant dense<0.000000e+00> : vector<640x512xf32>
    %dot_general3A_157 = tpu.matmul %div3A_149, %get3A_155, %dot_general3A_156 {dimension_numbers = #tpu.dot_dimension_numbers<[1], [0], [0], [1], [0, 0, 1, 1], [], []>, transpose_lhs_hint = false} : vector<640x512xf32>, vector<512x512xf32>, vector<640x512xf32> -> vector<640x512xf32>
    %get3A_158 = arith.constant 0 : index
    %get3A_159 = arith.constant 0 : index
    %get3A_160 = vector.load %arg5[%get3A_158, %get3A_159] : memref<1x512xf32, #tpu.memory_space<vmem>>, vector<1x512xf32>
    %add3A_161 = vector.broadcast %get3A_160 : vector<1x512xf32> to vector<640x512xf32>
    %add3A_162 = arith.addf %dot_general3A_157, %add3A_161 : vector<640x512xf32>
    %jit3A_163 = arith.constant 0.000000e+00 : f32
    %broadcast_in_dim3A_164 = vector.shape_cast %lt3A_86 : vector<640x1xi1> to vector<640x1xi1>
    %broadcast_in_dim3A_165 = vector.broadcast %broadcast_in_dim3A_164 : vector<640x1xi1> to vector<640x512xi1>
    %broadcast_in_dim3A_166 = vector.broadcast %jit3A_163 : f32 to vector<640x512xf32>
    %select_n3A_167 = arith.select %broadcast_in_dim3A_165, %add3A_162, %broadcast_in_dim3A_166 : vector<640x512xi1>, vector<640x512xf32>
    %reduce_sum3A_168 = arith.constant dense<0.000000e+00> : vector<512xf32>
    %reduce_sum3A_169 = vector.multi_reduction <add>, %select_n3A_167, %reduce_sum3A_168 [0] : vector<640x512xf32> to vector<512xf32>
    %broadcast_in_dim3A_170 = vector.shape_cast %reduce_sum3A_169 : vector<512xf32> to vector<1x512xf32>
    %add3A_171 = arith.addf %add3A_116, %broadcast_in_dim3A_170 : vector<1x512xf32>
    %mul3A_172 = arith.mulf %select_n3A_167, %select_n3A_167 : vector<640x512xf32>
    %reduce_sum3A_173 = arith.constant dense<0.000000e+00> : vector<512xf32>
    %reduce_sum3A_174 = vector.multi_reduction <add>, %mul3A_172, %reduce_sum3A_173 [0] : vector<640x512xf32> to vector<512xf32>
    %broadcast_in_dim3A_175 = vector.shape_cast %reduce_sum3A_174 : vector<512xf32> to vector<1x512xf32>
    %add3A_176 = arith.addf %add3A_121, %broadcast_in_dim3A_175 : vector<1x512xf32>
    %swap3A_177 = arith.constant 640 : index
    %swap3A_178 = arith.constant 0 : index
    %swap3A_179 = vector.load %arg12[%swap3A_177, %swap3A_178] : memref<5120x512xf32, #tpu.memory_space<vmem>>, vector<640x512xf32>
    tpu.vector_store %arg12[%swap3A_177, %swap3A_178], %add3A_162 {strides = array<i32>} : memref<5120x512xf32, #tpu.memory_space<vmem>>, vector<640x512xf32>,
    %dma_wait3A_180 = arith.constant 2 : i32
    %dma_wait3A_181 = tpu.memref_slice %arg16[%dma_wait3A_180] : memref<8x!tpu.dma_semaphore, #tpu.memory_space<semaphore_mem>> -> memref<1x!tpu.dma_semaphore, #tpu.memory_space<semaphore_mem>>
    %dma_wait3A_182 = tpu.memref_squeeze %dma_wait3A_181 : memref<1x!tpu.dma_semaphore, #tpu.memory_space<semaphore_mem>> -> memref<!tpu.dma_semaphore, #tpu.memory_space<semaphore_mem>>
    %dma_wait3A_183 = arith.constant 1280 : i32
    %dma_wait3A_184 = arith.constant 0 : i32
    %dma_wait3A_185 = tpu.memref_slice %arg11[%dma_wait3A_183, %dma_wait3A_184] : memref<5120x512xf32, #tpu.memory_space<vmem>> -> memref<640x512xf32, #tpu.memory_space<vmem>>
    %dma_wait3A_186 = arith.constant 1280 : i32
    %dma_wait3A_187 = arith.constant 0 : i32
    %dma_wait3A_188 = tpu.memref_slice %arg0[%dma_wait3A_186, %dma_wait3A_187] : memref<5120x512xf32, #tpu.memory_space<any>> -> memref<640x512xf32, #tpu.memory_space<any>>
    tpu.wait_dma2 semaphore(%dma_wait3A_182 : memref<!tpu.dma_semaphore, #tpu.memory_space<semaphore_mem>>) src(%dma_wait3A_188 : memref<640x512xf32, #tpu.memory_space<any>>) dst(%dma_wait3A_185 : memref<640x512xf32, #tpu.memory_space<vmem>>)
    %get3A_189 = arith.constant 1280 : index
    %get3A_190 = arith.constant 0 : index
    %get3A_191 = vector.load %arg11[%get3A_189, %get3A_190] : memref<5120x512xf32, #tpu.memory_space<vmem>>, vector<640x512xf32>
    %mul3A_192 = arith.mulf %get3A_191, %get3A_191 : vector<640x512xf32>
    %reduce_sum3A_193 = arith.constant dense<0.000000e+00> : vector<640xf32>
    %reduce_sum3A_194 = vector.multi_reduction <add>, %mul3A_192, %reduce_sum3A_193 [1] : vector<640x512xf32> to vector<640xf32>
    %broadcast_in_dim3A_195 = vector.shape_cast %reduce_sum3A_194 : vector<640xf32> to vector<640x1xf32>
    %sqrt3A_196 = math.sqrt %broadcast_in_dim3A_195 : vector<640x1xf32>
    %max3A_197 = arith.constant 9.99999997E-7 : f32
    %max3A_198 = vector.broadcast %max3A_197 : f32 to vector<640x1xf32>
    %max3A_199 = arith.maximumf %sqrt3A_196, %max3A_198 : vector<640x1xf32>
    %div3A_200 = vector.broadcast %max3A_199 : vector<640x1xf32> to vector<640x512xf32>
    %div3A_201 = arith.divf %get3A_191, %div3A_200 : vector<640x512xf32>
    %swap3A_202 = arith.constant 1280 : index
    %swap3A_203 = arith.constant 0 : index
    %swap3A_204 = vector.load %arg11[%swap3A_202, %swap3A_203] : memref<5120x512xf32, #tpu.memory_space<vmem>>, vector<640x512xf32>
    tpu.vector_store %arg11[%swap3A_202, %swap3A_203], %div3A_201 {strides = array<i32>} : memref<5120x512xf32, #tpu.memory_space<vmem>>, vector<640x512xf32>,
    %get3A_205 = arith.constant 0 : index
    %get3A_206 = arith.constant 0 : index
    %get3A_207 = vector.load %arg14[%get3A_205, %get3A_206] : memref<512x512xf32, #tpu.memory_space<vmem>>, vector<512x512xf32>
    %dot_general3A_208 = arith.constant dense<0.000000e+00> : vector<640x512xf32>
    %dot_general3A_209 = tpu.matmul %div3A_201, %get3A_207, %dot_general3A_208 {dimension_numbers = #tpu.dot_dimension_numbers<[1], [0], [0], [1], [0, 0, 1, 1], [], []>, transpose_lhs_hint = false} : vector<640x512xf32>, vector<512x512xf32>, vector<640x512xf32> -> vector<640x512xf32>
    %get3A_210 = arith.constant 0 : index
    %get3A_211 = arith.constant 0 : index
    %get3A_212 = vector.load %arg5[%get3A_210, %get3A_211] : memref<1x512xf32, #tpu.memory_space<vmem>>, vector<1x512xf32>
    %add3A_213 = vector.broadcast %get3A_212 : vector<1x512xf32> to vector<640x512xf32>
    %add3A_214 = arith.addf %dot_general3A_209, %add3A_213 : vector<640x512xf32>
    %reduce_sum3A_215 = arith.constant dense<0.000000e+00> : vector<512xf32>
    %reduce_sum3A_216 = vector.multi_reduction <add>, %add3A_214, %reduce_sum3A_215 [0] : vector<640x512xf32> to vector<512xf32>
    %broadcast_in_dim3A_217 = vector.shape_cast %reduce_sum3A_216 : vector<512xf32> to vector<1x512xf32>
    %add3A_218 = arith.addf %add3A_171, %broadcast_in_dim3A_217 : vector<1x512xf32>
    %mul3A_219 = arith.mulf %add3A_214, %add3A_214 : vector<640x512xf32>
    %reduce_sum3A_220 = arith.constant dense<0.000000e+00> : vector<512xf32>
    %reduce_sum3A_221 = vector.multi_reduction <add>, %mul3A_219, %reduce_sum3A_220 [0] : vector<640x512xf32> to vector<512xf32>
    %broadcast_in_dim3A_222 = vector.shape_cast %reduce_sum3A_221 : vector<512xf32> to vector<1x512xf32>
    %add3A_223 = arith.addf %add3A_176, %broadcast_in_dim3A_222 : vector<1x512xf32>
    %swap3A_224 = arith.constant 1280 : index
    %swap3A_225 = arith.constant 0 : index
    %swap3A_226 = vector.load %arg12[%swap3A_224, %swap3A_225] : memref<5120x512xf32, #tpu.memory_space<vmem>>, vector<640x512xf32>
    tpu.vector_store %arg12[%swap3A_224, %swap3A_225], %add3A_214 {strides = array<i32>} : memref<5120x512xf32, #tpu.memory_space<vmem>>, vector<640x512xf32>,
    %dma_wait3A_227 = arith.constant 3 : i32
    %dma_wait3A_228 = tpu.memref_slice %arg16[%dma_wait3A_227] : memref<8x!tpu.dma_semaphore, #tpu.memory_space<semaphore_mem>> -> memref<1x!tpu.dma_semaphore, #tpu.memory_space<semaphore_mem>>
    %dma_wait3A_229 = tpu.memref_squeeze %dma_wait3A_228 : memref<1x!tpu.dma_semaphore, #tpu.memory_space<semaphore_mem>> -> memref<!tpu.dma_semaphore, #tpu.memory_space<semaphore_mem>>
    %dma_wait3A_230 = arith.constant 1920 : i32
    %dma_wait3A_231 = arith.constant 0 : i32
    %dma_wait3A_232 = tpu.memref_slice %arg11[%dma_wait3A_230, %dma_wait3A_231] : memref<5120x512xf32, #tpu.memory_space<vmem>> -> memref<640x512xf32, #tpu.memory_space<vmem>>
    %dma_wait3A_233 = arith.constant 1920 : i32
    %dma_wait3A_234 = arith.constant 0 : i32
    %dma_wait3A_235 = tpu.memref_slice %arg0[%dma_wait3A_233, %dma_wait3A_234] : memref<5120x512xf32, #tpu.memory_space<any>> -> memref<640x512xf32, #tpu.memory_space<any>>
    tpu.wait_dma2 semaphore(%dma_wait3A_229 : memref<!tpu.dma_semaphore, #tpu.memory_space<semaphore_mem>>) src(%dma_wait3A_235 : memref<640x512xf32, #tpu.memory_space<any>>) dst(%dma_wait3A_232 : memref<640x512xf32, #tpu.memory_space<vmem>>)
    %get3A_236 = arith.constant 1920 : index
    %get3A_237 = arith.constant 0 : index
    %get3A_238 = vector.load %arg11[%get3A_236, %get3A_237] : memref<5120x512xf32, #tpu.memory_space<vmem>>, vector<640x512xf32>
    %jit3A_239 = arith.constant 0.000000e+00 : f32
    %broadcast_in_dim3A_240 = vector.shape_cast %lt3A_86 : vector<640x1xi1> to vector<640x1xi1>
    %broadcast_in_dim3A_241 = vector.broadcast %broadcast_in_dim3A_240 : vector<640x1xi1> to vector<640x512xi1>
    %broadcast_in_dim3A_242 = vector.broadcast %jit3A_239 : f32 to vector<640x512xf32>
    %select_n3A_243 = arith.select %broadcast_in_dim3A_241, %get3A_238, %broadcast_in_dim3A_242 : vector<640x512xi1>, vector<640x512xf32>
    %mul3A_244 = arith.mulf %select_n3A_243, %select_n3A_243 : vector<640x512xf32>
    %reduce_sum3A_245 = arith.constant dense<0.000000e+00> : vector<640xf32>
    %reduce_sum3A_246 = vector.multi_reduction <add>, %mul3A_244, %reduce_sum3A_245 [1] : vector<640x512xf32> to vector<640xf32>
    %broadcast_in_dim3A_247 = vector.shape_cast %reduce_sum3A_246 : vector<640xf32> to vector<640x1xf32>
    %sqrt3A_248 = math.sqrt %broadcast_in_dim3A_247 : vector<640x1xf32>
    %max3A_249 = arith.constant 9.99999997E-7 : f32
    %max3A_250 = vector.broadcast %max3A_249 : f32 to vector<640x1xf32>
    %max3A_251 = arith.maximumf %sqrt3A_248, %max3A_250 : vector<640x1xf32>
    %div3A_252 = vector.broadcast %max3A_251 : vector<640x1xf32> to vector<640x512xf32>
    %div3A_253 = arith.divf %select_n3A_243, %div3A_252 : vector<640x512xf32>
    %swap3A_254 = arith.constant 1920 : index
    %swap3A_255 = arith.constant 0 : index
    %swap3A_256 = vector.load %arg11[%swap3A_254, %swap3A_255] : memref<5120x512xf32, #tpu.memory_space<vmem>>, vector<640x512xf32>
    tpu.vector_store %arg11[%swap3A_254, %swap3A_255], %div3A_253 {strides = array<i32>} : memref<5120x512xf32, #tpu.memory_space<vmem>>, vector<640x512xf32>,
    %get3A_257 = arith.constant 0 : index
    %get3A_258 = arith.constant 0 : index
    %get3A_259 = vector.load %arg14[%get3A_257, %get3A_258] : memref<512x512xf32, #tpu.memory_space<vmem>>, vector<512x512xf32>
    %dot_general3A_260 = arith.constant dense<0.000000e+00> : vector<640x512xf32>
    %dot_general3A_261 = tpu.matmul %div3A_253, %get3A_259, %dot_general3A_260 {dimension_numbers = #tpu.dot_dimension_numbers<[1], [0], [0], [1], [0, 0, 1, 1], [], []>, transpose_lhs_hint = false} : vector<640x512xf32>, vector<512x512xf32>, vector<640x512xf32> -> vector<640x512xf32>
    %get3A_262 = arith.constant 0 : index
    %get3A_263 = arith.constant 0 : index
    %get3A_264 = vector.load %arg5[%get3A_262, %get3A_263] : memref<1x512xf32, #tpu.memory_space<vmem>>, vector<1x512xf32>
    %add3A_265 = vector.broadcast %get3A_264 : vector<1x512xf32> to vector<640x512xf32>
    %add3A_266 = arith.addf %dot_general3A_261, %add3A_265 : vector<640x512xf32>
    %jit3A_267 = arith.constant 0.000000e+00 : f32
    %broadcast_in_dim3A_268 = vector.shape_cast %lt3A_86 : vector<640x1xi1> to vector<640x1xi1>
    %broadcast_in_dim3A_269 = vector.broadcast %broadcast_in_dim3A_268 : vector<640x1xi1> to vector<640x512xi1>
    %broadcast_in_dim3A_270 = vector.broadcast %jit3A_267 : f32 to vector<640x512xf32>
    %select_n3A_271 = arith.select %broadcast_in_dim3A_269, %add3A_266, %broadcast_in_dim3A_270 : vector<640x512xi1>, vector<640x512xf32>
    %reduce_sum3A_272 = arith.constant dense<0.000000e+00> : vector<512xf32>
    %reduce_sum3A_273 = vector.multi_reduction <add>, %select_n3A_271, %reduce_sum3A_272 [0] : vector<640x512xf32> to vector<512xf32>
    %broadcast_in_dim3A_274 = vector.shape_cast %reduce_sum3A_273 : vector<512xf32> to vector<1x512xf32>
    %add3A_275 = arith.addf %add3A_218, %broadcast_in_dim3A_274 : vector<1x512xf32>
    %mul3A_276 = arith.mulf %select_n3A_271, %select_n3A_271 : vector<640x512xf32>
    %reduce_sum3A_277 = arith.constant dense<0.000000e+00> : vector<512xf32>
    %reduce_sum3A_278 = vector.multi_reduction <add>, %mul3A_276, %reduce_sum3A_277 [0] : vector<640x512xf32> to vector<512xf32>
    %broadcast_in_dim3A_279 = vector.shape_cast %reduce_sum3A_278 : vector<512xf32> to vector<1x512xf32>
    %add3A_280 = arith.addf %add3A_223, %broadcast_in_dim3A_279 : vector<1x512xf32>
    %swap3A_281 = arith.constant 1920 : index
    %swap3A_282 = arith.constant 0 : index
    %swap3A_283 = vector.load %arg12[%swap3A_281, %swap3A_282] : memref<5120x512xf32, #tpu.memory_space<vmem>>, vector<640x512xf32>
    tpu.vector_store %arg12[%swap3A_281, %swap3A_282], %add3A_266 {strides = array<i32>} : memref<5120x512xf32, #tpu.memory_space<vmem>>, vector<640x512xf32>,
    %dma_wait3A_284 = arith.constant 4 : i32
    %dma_wait3A_285 = tpu.memref_slice %arg16[%dma_wait3A_284] : memref<8x!tpu.dma_semaphore, #tpu.memory_space<semaphore_mem>> -> memref<1x!tpu.dma_semaphore, #tpu.memory_space<semaphore_mem>>
    %dma_wait3A_286 = tpu.memref_squeeze %dma_wait3A_285 : memref<1x!tpu.dma_semaphore, #tpu.memory_space<semaphore_mem>> -> memref<!tpu.dma_semaphore, #tpu.memory_space<semaphore_mem>>
    %dma_wait3A_287 = arith.constant 2560 : i32
    %dma_wait3A_288 = arith.constant 0 : i32
    %dma_wait3A_289 = tpu.memref_slice %arg11[%dma_wait3A_287, %dma_wait3A_288] : memref<5120x512xf32, #tpu.memory_space<vmem>> -> memref<640x512xf32, #tpu.memory_space<vmem>>
    %dma_wait3A_290 = arith.constant 2560 : i32
    %dma_wait3A_291 = arith.constant 0 : i32
    %dma_wait3A_292 = tpu.memref_slice %arg0[%dma_wait3A_290, %dma_wait3A_291] : memref<5120x512xf32, #tpu.memory_space<any>> -> memref<640x512xf32, #tpu.memory_space<any>>
    tpu.wait_dma2 semaphore(%dma_wait3A_286 : memref<!tpu.dma_semaphore, #tpu.memory_space<semaphore_mem>>) src(%dma_wait3A_292 : memref<640x512xf32, #tpu.memory_space<any>>) dst(%dma_wait3A_289 : memref<640x512xf32, #tpu.memory_space<vmem>>)
    %get3A_293 = arith.constant 2560 : index
    %get3A_294 = arith.constant 0 : index
    %get3A_295 = vector.load %arg11[%get3A_293, %get3A_294] : memref<5120x512xf32, #tpu.memory_space<vmem>>, vector<640x512xf32>
    %mul3A_296 = arith.mulf %get3A_295, %get3A_295 : vector<640x512xf32>
    %reduce_sum3A_297 = arith.constant dense<0.000000e+00> : vector<640xf32>
    %reduce_sum3A_298 = vector.multi_reduction <add>, %mul3A_296, %reduce_sum3A_297 [1] : vector<640x512xf32> to vector<640xf32>
    %broadcast_in_dim3A_299 = vector.shape_cast %reduce_sum3A_298 : vector<640xf32> to vector<640x1xf32>
    %sqrt3A_300 = math.sqrt %broadcast_in_dim3A_299 : vector<640x1xf32>
    %max3A_301 = arith.constant 9.99999997E-7 : f32
    %max3A_302 = vector.broadcast %max3A_301 : f32 to vector<640x1xf32>
    %max3A_303 = arith.maximumf %sqrt3A_300, %max3A_302 : vector<640x1xf32>
    %div3A_304 = vector.broadcast %max3A_303 : vector<640x1xf32> to vector<640x512xf32>
    %div3A_305 = arith.divf %get3A_295, %div3A_304 : vector<640x512xf32>
    %swap3A_306 = arith.constant 2560 : index
    %swap3A_307 = arith.constant 0 : index
    %swap3A_308 = vector.load %arg11[%swap3A_306, %swap3A_307] : memref<5120x512xf32, #tpu.memory_space<vmem>>, vector<640x512xf32>
    tpu.vector_store %arg11[%swap3A_306, %swap3A_307], %div3A_305 {strides = array<i32>} : memref<5120x512xf32, #tpu.memory_space<vmem>>, vector<640x512xf32>,
    %get3A_309 = arith.constant 0 : index
    %get3A_310 = arith.constant 0 : index
    %get3A_311 = vector.load %arg14[%get3A_309, %get3A_310] : memref<512x512xf32, #tpu.memory_space<vmem>>, vector<512x512xf32>
    %dot_general3A_312 = arith.constant dense<0.000000e+00> : vector<640x512xf32>
    %dot_general3A_313 = tpu.matmul %div3A_305, %get3A_311, %dot_general3A_312 {dimension_numbers = #tpu.dot_dimension_numbers<[1], [0], [0], [1], [0, 0, 1, 1], [], []>, transpose_lhs_hint = false} : vector<640x512xf32>, vector<512x512xf32>, vector<640x512xf32> -> vector<640x512xf32>
    %get3A_314 = arith.constant 0 : index
    %get3A_315 = arith.constant 0 : index
    %get3A_316 = vector.load %arg5[%get3A_314, %get3A_315] : memref<1x512xf32, #tpu.memory_space<vmem>>, vector<1x512xf32>
    %add3A_317 = vector.broadcast %get3A_316 : vector<1x512xf32> to vector<640x512xf32>
    %add3A_318 = arith.addf %dot_general3A_313, %add3A_317 : vector<640x512xf32>
    %reduce_sum3A_319 = arith.constant dense<0.000000e+00> : vector<512xf32>
    %reduce_sum3A_320 = vector.multi_reduction <add>, %add3A_318, %reduce_sum3A_319 [0] : vector<640x512xf32> to vector<512xf32>
    %broadcast_in_dim3A_321 = vector.shape_cast %reduce_sum3A_320 : vector<512xf32> to vector<1x512xf32>
    %add3A_322 = arith.addf %add3A_275, %broadcast_in_dim3A_321 : vector<1x512xf32>
    %mul3A_323 = arith.mulf %add3A_318, %add3A_318 : vector<640x512xf32>
    %reduce_sum3A_324 = arith.constant dense<0.000000e+00> : vector<512xf32>
    %reduce_sum3A_325 = vector.multi_reduction <add>, %mul3A_323, %reduce_sum3A_324 [0] : vector<640x512xf32> to vector<512xf32>
    %broadcast_in_dim3A_326 = vector.shape_cast %reduce_sum3A_325 : vector<512xf32> to vector<1x512xf32>
    %add3A_327 = arith.addf %add3A_280, %broadcast_in_dim3A_326 : vector<1x512xf32>
    %swap3A_328 = arith.constant 2560 : index
    %swap3A_329 = arith.constant 0 : index
    %swap3A_330 = vector.load %arg12[%swap3A_328, %swap3A_329] : memref<5120x512xf32, #tpu.memory_space<vmem>>, vector<640x512xf32>
    tpu.vector_store %arg12[%swap3A_328, %swap3A_329], %add3A_318 {strides = array<i32>} : memref<5120x512xf32, #tpu.memory_space<vmem>>, vector<640x512xf32>,
    %dma_wait3A_331 = arith.constant 5 : i32
    %dma_wait3A_332 = tpu.memref_slice %arg16[%dma_wait3A_331] : memref<8x!tpu.dma_semaphore, #tpu.memory_space<semaphore_mem>> -> memref<1x!tpu.dma_semaphore, #tpu.memory_space<semaphore_mem>>
    %dma_wait3A_333 = tpu.memref_squeeze %dma_wait3A_332 : memref<1x!tpu.dma_semaphore, #tpu.memory_space<semaphore_mem>> -> memref<!tpu.dma_semaphore, #tpu.memory_space<semaphore_mem>>
    %dma_wait3A_334 = arith.constant 3200 : i32
    %dma_wait3A_335 = arith.constant 0 : i32
    %dma_wait3A_336 = tpu.memref_slice %arg11[%dma_wait3A_334, %dma_wait3A_335] : memref<5120x512xf32, #tpu.memory_space<vmem>> -> memref<640x512xf32, #tpu.memory_space<vmem>>
    %dma_wait3A_337 = arith.constant 3200 : i32
    %dma_wait3A_338 = arith.constant 0 : i32
    %dma_wait3A_339 = tpu.memref_slice %arg0[%dma_wait3A_337, %dma_wait3A_338] : memref<5120x512xf32, #tpu.memory_space<any>> -> memref<640x512xf32, #tpu.memory_space<any>>
    tpu.wait_dma2 semaphore(%dma_wait3A_333 : memref<!tpu.dma_semaphore, #tpu.memory_space<semaphore_mem>>) src(%dma_wait3A_339 : memref<640x512xf32, #tpu.memory_space<any>>) dst(%dma_wait3A_336 : memref<640x512xf32, #tpu.memory_space<vmem>>)
    %get3A_340 = arith.constant 3200 : index
    %get3A_341 = arith.constant 0 : index
    %get3A_342 = vector.load %arg11[%get3A_340, %get3A_341] : memref<5120x512xf32, #tpu.memory_space<vmem>>, vector<640x512xf32>
    %jit3A_343 = arith.constant 0.000000e+00 : f32
    %broadcast_in_dim3A_344 = vector.shape_cast %lt3A_86 : vector<640x1xi1> to vector<640x1xi1>
    %broadcast_in_dim3A_345 = vector.broadcast %broadcast_in_dim3A_344 : vector<640x1xi1> to vector<640x512xi1>
    %broadcast_in_dim3A_346 = vector.broadcast %jit3A_343 : f32 to vector<640x512xf32>
    %select_n3A_347 = arith.select %broadcast_in_dim3A_345, %get3A_342, %broadcast_in_dim3A_346 : vector<640x512xi1>, vector<640x512xf32>
    %mul3A_348 = arith.mulf %select_n3A_347, %select_n3A_347 : vector<640x512xf32>
    %reduce_sum3A_349 = arith.constant dense<0.000000e+00> : vector<640xf32>
    %reduce_sum3A_350 = vector.multi_reduction <add>, %mul3A_348, %reduce_sum3A_349 [1] : vector<640x512xf32> to vector<640xf32>
    %broadcast_in_dim3A_351 = vector.shape_cast %reduce_sum3A_350 : vector<640xf32> to vector<640x1xf32>
    %sqrt3A_352 = math.sqrt %broadcast_in_dim3A_351 : vector<640x1xf32>
    %max3A_353 = arith.constant 9.99999997E-7 : f32
    %max3A_354 = vector.broadcast %max3A_353 : f32 to vector<640x1xf32>
    %max3A_355 = arith.maximumf %sqrt3A_352, %max3A_354 : vector<640x1xf32>
    %div3A_356 = vector.broadcast %max3A_355 : vector<640x1xf32> to vector<640x512xf32>
    %div3A_357 = arith.divf %select_n3A_347, %div3A_356 : vector<640x512xf32>
    %swap3A_358 = arith.constant 3200 : index
    %swap3A_359 = arith.constant 0 : index
    %swap3A_360 = vector.load %arg11[%swap3A_358, %swap3A_359] : memref<5120x512xf32, #tpu.memory_space<vmem>>, vector<640x512xf32>
    tpu.vector_store %arg11[%swap3A_358, %swap3A_359], %div3A_357 {strides = array<i32>} : memref<5120x512xf32, #tpu.memory_space<vmem>>, vector<640x512xf32>,
    %get3A_361 = arith.constant 0 : index
    %get3A_362 = arith.constant 0 : index
    %get3A_363 = vector.load %arg14[%get3A_361, %get3A_362] : memref<512x512xf32, #tpu.memory_space<vmem>>, vector<512x512xf32>
    %dot_general3A_364 = arith.constant dense<0.000000e+00> : vector<640x512xf32>
    %dot_general3A_365 = tpu.matmul %div3A_357, %get3A_363, %dot_general3A_364 {dimension_numbers = #tpu.dot_dimension_numbers<[1], [0], [0], [1], [0, 0, 1, 1], [], []>, transpose_lhs_hint = false} : vector<640x512xf32>, vector<512x512xf32>, vector<640x512xf32> -> vector<640x512xf32>
    %get3A_366 = arith.constant 0 : index
    %get3A_367 = arith.constant 0 : index
    %get3A_368 = vector.load %arg5[%get3A_366, %get3A_367] : memref<1x512xf32, #tpu.memory_space<vmem>>, vector<1x512xf32>
    %add3A_369 = vector.broadcast %get3A_368 : vector<1x512xf32> to vector<640x512xf32>
    %add3A_370 = arith.addf %dot_general3A_365, %add3A_369 : vector<640x512xf32>
    %jit3A_371 = arith.constant 0.000000e+00 : f32
    %broadcast_in_dim3A_372 = vector.shape_cast %lt3A_86 : vector<640x1xi1> to vector<640x1xi1>
    %broadcast_in_dim3A_373 = vector.broadcast %broadcast_in_dim3A_372 : vector<640x1xi1> to vector<640x512xi1>
    %broadcast_in_dim3A_374 = vector.broadcast %jit3A_371 : f32 to vector<640x512xf32>
    %select_n3A_375 = arith.select %broadcast_in_dim3A_373, %add3A_370, %broadcast_in_dim3A_374 : vector<640x512xi1>, vector<640x512xf32>
    %reduce_sum3A_376 = arith.constant dense<0.000000e+00> : vector<512xf32>
    %reduce_sum3A_377 = vector.multi_reduction <add>, %select_n3A_375, %reduce_sum3A_376 [0] : vector<640x512xf32> to vector<512xf32>
    %broadcast_in_dim3A_378 = vector.shape_cast %reduce_sum3A_377 : vector<512xf32> to vector<1x512xf32>
    %add3A_379 = arith.addf %add3A_322, %broadcast_in_dim3A_378 : vector<1x512xf32>
    %mul3A_380 = arith.mulf %select_n3A_375, %select_n3A_375 : vector<640x512xf32>
    %reduce_sum3A_381 = arith.constant dense<0.000000e+00> : vector<512xf32>
    %reduce_sum3A_382 = vector.multi_reduction <add>, %mul3A_380, %reduce_sum3A_381 [0] : vector<640x512xf32> to vector<512xf32>
    %broadcast_in_dim3A_383 = vector.shape_cast %reduce_sum3A_382 : vector<512xf32> to vector<1x512xf32>
    %add3A_384 = arith.addf %add3A_327, %broadcast_in_dim3A_383 : vector<1x512xf32>
    %swap3A_385 = arith.constant 3200 : index
    %swap3A_386 = arith.constant 0 : index
    %swap3A_387 = vector.load %arg12[%swap3A_385, %swap3A_386] : memref<5120x512xf32, #tpu.memory_space<vmem>>, vector<640x512xf32>
    tpu.vector_store %arg12[%swap3A_385, %swap3A_386], %add3A_370 {strides = array<i32>} : memref<5120x512xf32, #tpu.memory_space<vmem>>, vector<640x512xf32>,
    %dma_wait3A_388 = arith.constant 6 : i32
    %dma_wait3A_389 = tpu.memref_slice %arg16[%dma_wait3A_388] : memref<8x!tpu.dma_semaphore, #tpu.memory_space<semaphore_mem>> -> memref<1x!tpu.dma_semaphore, #tpu.memory_space<semaphore_mem>>
    %dma_wait3A_390 = tpu.memref_squeeze %dma_wait3A_389 : memref<1x!tpu.dma_semaphore, #tpu.memory_space<semaphore_mem>> -> memref<!tpu.dma_semaphore, #tpu.memory_space<semaphore_mem>>
    %dma_wait3A_391 = arith.constant 3840 : i32
    %dma_wait3A_392 = arith.constant 0 : i32
    %dma_wait3A_393 = tpu.memref_slice %arg11[%dma_wait3A_391, %dma_wait3A_392] : memref<5120x512xf32, #tpu.memory_space<vmem>> -> memref<640x512xf32, #tpu.memory_space<vmem>>
    %dma_wait3A_394 = arith.constant 3840 : i32
    %dma_wait3A_395 = arith.constant 0 : i32
    %dma_wait3A_396 = tpu.memref_slice %arg0[%dma_wait3A_394, %dma_wait3A_395] : memref<5120x512xf32, #tpu.memory_space<any>> -> memref<640x512xf32, #tpu.memory_space<any>>
    tpu.wait_dma2 semaphore(%dma_wait3A_390 : memref<!tpu.dma_semaphore, #tpu.memory_space<semaphore_mem>>) src(%dma_wait3A_396 : memref<640x512xf32, #tpu.memory_space<any>>) dst(%dma_wait3A_393 : memref<640x512xf32, #tpu.memory_space<vmem>>)
    %get3A_397 = arith.constant 3840 : index
    %get3A_398 = arith.constant 0 : index
    %get3A_399 = vector.load %arg11[%get3A_397, %get3A_398] : memref<5120x512xf32, #tpu.memory_space<vmem>>, vector<640x512xf32>
    %mul3A_400 = arith.mulf %get3A_399, %get3A_399 : vector<640x512xf32>
    %reduce_sum3A_401 = arith.constant dense<0.000000e+00> : vector<640xf32>
    %reduce_sum3A_402 = vector.multi_reduction <add>, %mul3A_400, %reduce_sum3A_401 [1] : vector<640x512xf32> to vector<640xf32>
    %broadcast_in_dim3A_403 = vector.shape_cast %reduce_sum3A_402 : vector<640xf32> to vector<640x1xf32>
    %sqrt3A_404 = math.sqrt %broadcast_in_dim3A_403 : vector<640x1xf32>
    %max3A_405 = arith.constant 9.99999997E-7 : f32
    %max3A_406 = vector.broadcast %max3A_405 : f32 to vector<640x1xf32>
    %max3A_407 = arith.maximumf %sqrt3A_404, %max3A_406 : vector<640x1xf32>
    %div3A_408 = vector.broadcast %max3A_407 : vector<640x1xf32> to vector<640x512xf32>
    %div3A_409 = arith.divf %get3A_399, %div3A_408 : vector<640x512xf32>
    %swap3A_410 = arith.constant 3840 : index
    %swap3A_411 = arith.constant 0 : index
    %swap3A_412 = vector.load %arg11[%swap3A_410, %swap3A_411] : memref<5120x512xf32, #tpu.memory_space<vmem>>, vector<640x512xf32>
    tpu.vector_store %arg11[%swap3A_410, %swap3A_411], %div3A_409 {strides = array<i32>} : memref<5120x512xf32, #tpu.memory_space<vmem>>, vector<640x512xf32>,
    %get3A_413 = arith.constant 0 : index
    %get3A_414 = arith.constant 0 : index
    %get3A_415 = vector.load %arg14[%get3A_413, %get3A_414] : memref<512x512xf32, #tpu.memory_space<vmem>>, vector<512x512xf32>
    %dot_general3A_416 = arith.constant dense<0.000000e+00> : vector<640x512xf32>
    %dot_general3A_417 = tpu.matmul %div3A_409, %get3A_415, %dot_general3A_416 {dimension_numbers = #tpu.dot_dimension_numbers<[1], [0], [0], [1], [0, 0, 1, 1], [], []>, transpose_lhs_hint = false} : vector<640x512xf32>, vector<512x512xf32>, vector<640x512xf32> -> vector<640x512xf32>
    %get3A_418 = arith.constant 0 : index
    %get3A_419 = arith.constant 0 : index
    %get3A_420 = vector.load %arg5[%get3A_418, %get3A_419] : memref<1x512xf32, #tpu.memory_space<vmem>>, vector<1x512xf32>
    %add3A_421 = vector.broadcast %get3A_420 : vector<1x512xf32> to vector<640x512xf32>
    %add3A_422 = arith.addf %dot_general3A_417, %add3A_421 : vector<640x512xf32>
    %reduce_sum3A_423 = arith.constant dense<0.000000e+00> : vector<512xf32>
    %reduce_sum3A_424 = vector.multi_reduction <add>, %add3A_422, %reduce_sum3A_423 [0] : vector<640x512xf32> to vector<512xf32>
    %broadcast_in_dim3A_425 = vector.shape_cast %reduce_sum3A_424 : vector<512xf32> to vector<1x512xf32>
    %add3A_426 = arith.addf %add3A_379, %broadcast_in_dim3A_425 : vector<1x512xf32>
    %mul3A_427 = arith.mulf %add3A_422, %add3A_422 : vector<640x512xf32>
    %reduce_sum3A_428 = arith.constant dense<0.000000e+00> : vector<512xf32>
    %reduce_sum3A_429 = vector.multi_reduction <add>, %mul3A_427, %reduce_sum3A_428 [0] : vector<640x512xf32> to vector<512xf32>
    %broadcast_in_dim3A_430 = vector.shape_cast %reduce_sum3A_429 : vector<512xf32> to vector<1x512xf32>
    %add3A_431 = arith.addf %add3A_384, %broadcast_in_dim3A_430 : vector<1x512xf32>
    %swap3A_432 = arith.constant 3840 : index
    %swap3A_433 = arith.constant 0 : index
    %swap3A_434 = vector.load %arg12[%swap3A_432, %swap3A_433] : memref<5120x512xf32, #tpu.memory_space<vmem>>, vector<640x512xf32>
    tpu.vector_store %arg12[%swap3A_432, %swap3A_433], %add3A_422 {strides = array<i32>} : memref<5120x512xf32, #tpu.memory_space<vmem>>, vector<640x512xf32>,
    %dma_wait3A_435 = arith.constant 7 : i32
    %dma_wait3A_436 = tpu.memref_slice %arg16[%dma_wait3A_435] : memref<8x!tpu.dma_semaphore, #tpu.memory_space<semaphore_mem>> -> memref<1x!tpu.dma_semaphore, #tpu.memory_space<semaphore_mem>>
    %dma_wait3A_437 = tpu.memref_squeeze %dma_wait3A_436 : memref<1x!tpu.dma_semaphore, #tpu.memory_space<semaphore_mem>> -> memref<!tpu.dma_semaphore, #tpu.memory_space<semaphore_mem>>
    %dma_wait3A_438 = arith.constant 4480 : i32
    %dma_wait3A_439 = arith.constant 0 : i32
    %dma_wait3A_440 = tpu.memref_slice %arg11[%dma_wait3A_438, %dma_wait3A_439] : memref<5120x512xf32, #tpu.memory_space<vmem>> -> memref<640x512xf32, #tpu.memory_space<vmem>>
    %dma_wait3A_441 = arith.constant 4480 : i32
    %dma_wait3A_442 = arith.constant 0 : i32
    %dma_wait3A_443 = tpu.memref_slice %arg0[%dma_wait3A_441, %dma_wait3A_442] : memref<5120x512xf32, #tpu.memory_space<any>> -> memref<640x512xf32, #tpu.memory_space<any>>
    tpu.wait_dma2 semaphore(%dma_wait3A_437 : memref<!tpu.dma_semaphore, #tpu.memory_space<semaphore_mem>>) src(%dma_wait3A_443 : memref<640x512xf32, #tpu.memory_space<any>>) dst(%dma_wait3A_440 : memref<640x512xf32, #tpu.memory_space<vmem>>)
    %get3A_444 = arith.constant 4480 : index
    %get3A_445 = arith.constant 0 : index
    %get3A_446 = vector.load %arg11[%get3A_444, %get3A_445] : memref<5120x512xf32, #tpu.memory_space<vmem>>, vector<640x512xf32>
    %jit3A_447 = arith.constant 0.000000e+00 : f32
    %broadcast_in_dim3A_448 = vector.shape_cast %lt3A_86 : vector<640x1xi1> to vector<640x1xi1>
    %broadcast_in_dim3A_449 = vector.broadcast %broadcast_in_dim3A_448 : vector<640x1xi1> to vector<640x512xi1>
    %broadcast_in_dim3A_450 = vector.broadcast %jit3A_447 : f32 to vector<640x512xf32>
    %select_n3A_451 = arith.select %broadcast_in_dim3A_449, %get3A_446, %broadcast_in_dim3A_450 : vector<640x512xi1>, vector<640x512xf32>
    %mul3A_452 = arith.mulf %select_n3A_451, %select_n3A_451 : vector<640x512xf32>
    %reduce_sum3A_453 = arith.constant dense<0.000000e+00> : vector<640xf32>
    %reduce_sum3A_454 = vector.multi_reduction <add>, %mul3A_452, %reduce_sum3A_453 [1] : vector<640x512xf32> to vector<640xf32>
    %broadcast_in_dim3A_455 = vector.shape_cast %reduce_sum3A_454 : vector<640xf32> to vector<640x1xf32>
    %sqrt3A_456 = math.sqrt %broadcast_in_dim3A_455 : vector<640x1xf32>
    %max3A_457 = arith.constant 9.99999997E-7 : f32
    %max3A_458 = vector.broadcast %max3A_457 : f32 to vector<640x1xf32>
    %max3A_459 = arith.maximumf %sqrt3A_456, %max3A_458 : vector<640x1xf32>
    %div3A_460 = vector.broadcast %max3A_459 : vector<640x1xf32> to vector<640x512xf32>
    %div3A_461 = arith.divf %select_n3A_451, %div3A_460 : vector<640x512xf32>
    %swap3A_462 = arith.constant 4480 : index
    %swap3A_463 = arith.constant 0 : index
    %swap3A_464 = vector.load %arg11[%swap3A_462, %swap3A_463] : memref<5120x512xf32, #tpu.memory_space<vmem>>, vector<640x512xf32>
    tpu.vector_store %arg11[%swap3A_462, %swap3A_463], %div3A_461 {strides = array<i32>} : memref<5120x512xf32, #tpu.memory_space<vmem>>, vector<640x512xf32>,
    %get3A_465 = arith.constant 0 : index
    %get3A_466 = arith.constant 0 : index
    %get3A_467 = vector.load %arg14[%get3A_465, %get3A_466] : memref<512x512xf32, #tpu.memory_space<vmem>>, vector<512x512xf32>
    %dot_general3A_468 = arith.constant dense<0.000000e+00> : vector<640x512xf32>
    %dot_general3A_469 = tpu.matmul %div3A_461, %get3A_467, %dot_general3A_468 {dimension_numbers = #tpu.dot_dimension_numbers<[1], [0], [0], [1], [0, 0, 1, 1], [], []>, transpose_lhs_hint = false} : vector<640x512xf32>, vector<512x512xf32>, vector<640x512xf32> -> vector<640x512xf32>
    %get3A_470 = arith.constant 0 : index
    %get3A_471 = arith.constant 0 : index
    %get3A_472 = vector.load %arg5[%get3A_470, %get3A_471] : memref<1x512xf32, #tpu.memory_space<vmem>>, vector<1x512xf32>
    %add3A_473 = vector.broadcast %get3A_472 : vector<1x512xf32> to vector<640x512xf32>
    %add3A_474 = arith.addf %dot_general3A_469, %add3A_473 : vector<640x512xf32>
    %jit3A_475 = arith.constant 0.000000e+00 : f32
    %broadcast_in_dim3A_476 = vector.shape_cast %lt3A_86 : vector<640x1xi1> to vector<640x1xi1>
    %broadcast_in_dim3A_477 = vector.broadcast %broadcast_in_dim3A_476 : vector<640x1xi1> to vector<640x512xi1>
    %broadcast_in_dim3A_478 = vector.broadcast %jit3A_475 : f32 to vector<640x512xf32>
    %select_n3A_479 = arith.select %broadcast_in_dim3A_477, %add3A_474, %broadcast_in_dim3A_478 : vector<640x512xi1>, vector<640x512xf32>
    %reduce_sum3A_480 = arith.constant dense<0.000000e+00> : vector<512xf32>
    %reduce_sum3A_481 = vector.multi_reduction <add>, %select_n3A_479, %reduce_sum3A_480 [0] : vector<640x512xf32> to vector<512xf32>
    %broadcast_in_dim3A_482 = vector.shape_cast %reduce_sum3A_481 : vector<512xf32> to vector<1x512xf32>
    %add3A_483 = arith.addf %add3A_426, %broadcast_in_dim3A_482 : vector<1x512xf32>
    %mul3A_484 = arith.mulf %select_n3A_479, %select_n3A_479 : vector<640x512xf32>
    %reduce_sum3A_485 = arith.constant dense<0.000000e+00> : vector<512xf32>
    %reduce_sum3A_486 = vector.multi_reduction <add>, %mul3A_484, %reduce_sum3A_485 [0] : vector<640x512xf32> to vector<512xf32>
    %broadcast_in_dim3A_487 = vector.shape_cast %reduce_sum3A_486 : vector<512xf32> to vector<1x512xf32>
    %add3A_488 = arith.addf %add3A_431, %broadcast_in_dim3A_487 : vector<1x512xf32>
    %swap3A_489 = arith.constant 4480 : index
    %swap3A_490 = arith.constant 0 : index
    %swap3A_491 = vector.load %arg12[%swap3A_489, %swap3A_490] : memref<5120x512xf32, #tpu.memory_space<vmem>>, vector<640x512xf32>
    tpu.vector_store %arg12[%swap3A_489, %swap3A_490], %add3A_474 {strides = array<i32>} : memref<5120x512xf32, #tpu.memory_space<vmem>>, vector<640x512xf32>,
    %div3A_492 = arith.constant 4.912000e+03 : f32
    %div3A_493 = vector.broadcast %div3A_492 : f32 to vector<1x512xf32>
    %div3A_494 = arith.divf %add3A_483, %div3A_493 : vector<1x512xf32>
    %div3A_495 = arith.constant 4.912000e+03 : f32
    %div3A_496 = vector.broadcast %div3A_495 : f32 to vector<1x512xf32>
    %div3A_497 = arith.divf %add3A_488, %div3A_496 : vector<1x512xf32>
    %mul3A_498 = arith.mulf %div3A_494, %div3A_494 : vector<1x512xf32>
    %sub3A = arith.subf %div3A_497, %mul3A_498 : vector<1x512xf32>
    %add3A_499 = arith.constant 9.99999974E-6 : f32
    %add3A_500 = vector.broadcast %add3A_499 : f32 to vector<1x512xf32>
    %add3A_501 = arith.addf %sub3A, %add3A_500 : vector<1x512xf32>
    %sqrt3A_502 = math.sqrt %add3A_501 : vector<1x512xf32>
    %div3A_503 = arith.constant 1.000000e+00 : f32
    %div3A_504 = vector.broadcast %div3A_503 : f32 to vector<1x512xf32>
    %div3A_505 = arith.divf %div3A_504, %sqrt3A_502 : vector<1x512xf32>
    %dma_wait3A_506 = arith.constant 1 : i32
    %dma_wait3A_507 = tpu.memref_slice %arg17[%dma_wait3A_506] : memref<3x!tpu.dma_semaphore, #tpu.memory_space<semaphore_mem>> -> memref<1x!tpu.dma_semaphore, #tpu.memory_space<semaphore_mem>>
    %dma_wait3A_508 = tpu.memref_squeeze %dma_wait3A_507 : memref<1x!tpu.dma_semaphore, #tpu.memory_space<semaphore_mem>> -> memref<!tpu.dma_semaphore, #tpu.memory_space<semaphore_mem>>
    tpu.wait_dma2 semaphore(%dma_wait3A_508 : memref<!tpu.dma_semaphore, #tpu.memory_space<semaphore_mem>>) src(%arg3 : memref<512x1024xf32, #tpu.memory_space<any>>) dst(%arg15 : memref<512x1024xf32, #tpu.memory_space<vmem>>)
    %dma_wait3A_509 = arith.constant 2 : i32
    %dma_wait3A_510 = tpu.memref_slice %arg17[%dma_wait3A_509] : memref<3x!tpu.dma_semaphore, #tpu.memory_space<semaphore_mem>> -> memref<1x!tpu.dma_semaphore, #tpu.memory_space<semaphore_mem>>
    %dma_wait3A_511 = tpu.memref_squeeze %dma_wait3A_510 : memref<1x!tpu.dma_semaphore, #tpu.memory_space<semaphore_mem>> -> memref<!tpu.dma_semaphore, #tpu.memory_space<semaphore_mem>>
    tpu.wait_dma2 semaphore(%dma_wait3A_511 : memref<!tpu.dma_semaphore, #tpu.memory_space<semaphore_mem>>) src(%arg1 : memref<512x1024xf32, #tpu.memory_space<any>>) dst(%arg13 : memref<512x1024xf32, #tpu.memory_space<vmem>>)
    %iota3A_512 = tpu.iota {dimensions = array<i32: 0>} : vector<640x1xi32>
    %get3A_513 = arith.constant 0 : index
    %get3A_514 = arith.constant 0 : index
    %get3A_515 = vector.load %arg12[%get3A_513, %get3A_514] : memref<5120x512xf32, #tpu.memory_space<vmem>>, vector<640x512xf32>
    %sub3A_516 = vector.broadcast %div3A_494 : vector<1x512xf32> to vector<640x512xf32>
    %sub3A_517 = arith.subf %get3A_515, %sub3A_516 : vector<640x512xf32>
    %mul3A_518 = vector.broadcast %div3A_505 : vector<1x512xf32> to vector<640x512xf32>
    %mul3A_519 = arith.mulf %sub3A_517, %mul3A_518 : vector<640x512xf32>
    %get3A_520 = arith.constant 0 : index
    %get3A_521 = arith.constant 0 : index
    %get3A_522 = vector.load %arg7[%get3A_520, %get3A_521] : memref<1x512xf32, #tpu.memory_space<vmem>>, vector<1x512xf32>
    %mul3A_523 = vector.broadcast %get3A_522 : vector<1x512xf32> to vector<640x512xf32>
    %mul3A_524 = arith.mulf %mul3A_519, %mul3A_523 : vector<640x512xf32>
    %get3A_525 = arith.constant 0 : index
    %get3A_526 = arith.constant 0 : index
    %get3A_527 = vector.load %arg8[%get3A_525, %get3A_526] : memref<1x512xf32, #tpu.memory_space<vmem>>, vector<1x512xf32>
    %add3A_528 = vector.broadcast %get3A_527 : vector<1x512xf32> to vector<640x512xf32>
    %add3A_529 = arith.addf %mul3A_524, %add3A_528 : vector<640x512xf32>
    %max3A_530 = arith.constant 0.000000e+00 : f32
    %max3A_531 = vector.broadcast %max3A_530 : f32 to vector<640x512xf32>
    %max3A_532 = arith.maximumf %add3A_529, %max3A_531 : vector<640x512xf32>
    %get3A_533 = arith.constant 0 : index
    %get3A_534 = arith.constant 0 : index
    %get3A_535 = vector.load %arg15[%get3A_533, %get3A_534] : memref<512x1024xf32, #tpu.memory_space<vmem>>, vector<512x1024xf32>
    %dot_general3A_536 = arith.constant dense<0.000000e+00> : vector<640x1024xf32>
    %dot_general3A_537 = tpu.matmul %max3A_532, %get3A_535, %dot_general3A_536 {dimension_numbers = #tpu.dot_dimension_numbers<[1], [0], [0], [1], [0, 0, 1, 1], [], []>, transpose_lhs_hint = false} : vector<640x512xf32>, vector<512x1024xf32>, vector<640x1024xf32> -> vector<640x1024xf32>
    %get3A_538 = arith.constant 0 : index
    %get3A_539 = arith.constant 0 : index
    %get3A_540 = vector.load %arg11[%get3A_538, %get3A_539] : memref<5120x512xf32, #tpu.memory_space<vmem>>, vector<640x512xf32>
    %get3A_541 = arith.constant 0 : index
    %get3A_542 = arith.constant 0 : index
    %get3A_543 = vector.load %arg13[%get3A_541, %get3A_542] : memref<512x1024xf32, #tpu.memory_space<vmem>>, vector<512x1024xf32>
    %dot_general3A_544 = arith.constant dense<0.000000e+00> : vector<640x1024xf32>
    %dot_general3A_545 = tpu.matmul %get3A_540, %get3A_543, %dot_general3A_544 {dimension_numbers = #tpu.dot_dimension_numbers<[1], [0], [0], [1], [0, 0, 1, 1], [], []>, transpose_lhs_hint = false} : vector<640x512xf32>, vector<512x1024xf32>, vector<640x1024xf32> -> vector<640x1024xf32>
    %add3A_546 = arith.addf %dot_general3A_537, %dot_general3A_545 : vector<640x1024xf32>
    %get3A_547 = arith.constant 0 : index
    %get3A_548 = arith.constant 0 : index
    %get3A_549 = vector.load %arg6[%get3A_547, %get3A_548] : memref<1x1024xf32, #tpu.memory_space<vmem>>, vector<1x1024xf32>
    %add3A_550 = vector.broadcast %get3A_549 : vector<1x1024xf32> to vector<640x1024xf32>
    %add3A_551 = arith.addf %add3A_546, %add3A_550 : vector<640x1024xf32>
    %get3A_552 = arith.constant 0 : index
    %get3A_553 = arith.constant 0 : index
    %get3A_554 = vector.load %arg4[%get3A_552, %get3A_553] : memref<1x1024xf32, #tpu.memory_space<vmem>>, vector<1x1024xf32>
    %add3A_555 = vector.broadcast %get3A_554 : vector<1x1024xf32> to vector<640x1024xf32>
    %add3A_556 = arith.addf %add3A_551, %add3A_555 : vector<640x1024xf32>
    %get3A_557 = arith.constant 0 : index
    %get3A_558 = arith.constant 0 : index
    %get3A_559 = memref.load %arg9[%get3A_557, %get3A_558] : memref<4x16xi32, #tpu.memory_space<smem>>
    %sub3A_560 = arith.constant 4096 : i32
    %sub3A_561 = arith.subi %sub3A_560, %get3A_559 : i32
    %sub3A_562 = arith.constant 2 : i32
    %sub3A_563 = arith.subi %sub3A_561, %sub3A_562 : i32
    %jit3A_564 = arith.constant 1 : i32
    %jit3A_565 = arith.constant 1228 : i32
    %max3A_566 = arith.maxsi %jit3A_564, %sub3A_563 : i32
    %min3A = arith.minsi %jit3A_565, %max3A_566 : i32
    %add3A_567 = arith.constant 0 : i32
    %add3A_568 = vector.broadcast %add3A_567 : i32 to vector<640x1xi32>
    %add3A_569 = arith.addi %iota3A_512, %add3A_568 : vector<640x1xi32>
    %lt3A_570 = vector.broadcast %min3A : i32 to vector<640x1xi32>
    %lt3A_571 = arith.cmpi slt, %add3A_569, %lt3A_570 : vector<640x1xi32>
    %jit3A_572 = arith.constant 0xFF800000 : f32
    %broadcast_in_dim3A_573 = vector.shape_cast %lt3A_571 : vector<640x1xi1> to vector<640x1xi1>
    %broadcast_in_dim3A_574 = vector.broadcast %broadcast_in_dim3A_573 : vector<640x1xi1> to vector<640x1024xi1>
    %broadcast_in_dim3A_575 = vector.broadcast %jit3A_572 : f32 to vector<640x1024xf32>
    %select_n3A_576 = arith.select %broadcast_in_dim3A_574, %add3A_556, %broadcast_in_dim3A_575 : vector<640x1024xi1>, vector<640x1024xf32>
    %reduce_max3A = arith.constant dense<0xFF800000> : vector<1024xf32>
    %reduce_max3A_577 = vector.multi_reduction <maximumf>, %select_n3A_576, %reduce_max3A [0] : vector<640x1024xf32> to vector<1024xf32>
    %swap3A_578 = arith.constant 0 : index
    %swap3A_579 = arith.constant 0 : index
    %swap3A_580 = vector.load %arg10[%swap3A_578, %swap3A_579] : memref<4x1024xf32, #tpu.memory_space<vmem>>, vector<1x1024xf32>
    %swap3A_581 = vector.shape_cast %swap3A_580 : vector<1x1024xf32> to vector<1024xf32>
    %swap3A_582 = vector.shape_cast %reduce_max3A_577 : vector<1024xf32> to vector<1x1024xf32>
    tpu.vector_store %arg10[%swap3A_578, %swap3A_579], %swap3A_582 {strides = array<i32>} : memref<4x1024xf32, #tpu.memory_space<vmem>>, vector<1x1024xf32>,
    %get3A_583 = arith.constant 640 : index
    %get3A_584 = arith.constant 0 : index
    %get3A_585 = vector.load %arg12[%get3A_583, %get3A_584] : memref<5120x512xf32, #tpu.memory_space<vmem>>, vector<640x512xf32>
    %sub3A_586 = vector.broadcast %div3A_494 : vector<1x512xf32> to vector<640x512xf32>
    %sub3A_587 = arith.subf %get3A_585, %sub3A_586 : vector<640x512xf32>
    %mul3A_588 = vector.broadcast %div3A_505 : vector<1x512xf32> to vector<640x512xf32>
    %mul3A_589 = arith.mulf %sub3A_587, %mul3A_588 : vector<640x512xf32>
    %get3A_590 = arith.constant 0 : index
    %get3A_591 = arith.constant 0 : index
    %get3A_592 = vector.load %arg7[%get3A_590, %get3A_591] : memref<1x512xf32, #tpu.memory_space<vmem>>, vector<1x512xf32>
    %mul3A_593 = vector.broadcast %get3A_592 : vector<1x512xf32> to vector<640x512xf32>
    %mul3A_594 = arith.mulf %mul3A_589, %mul3A_593 : vector<640x512xf32>
    %get3A_595 = arith.constant 0 : index
    %get3A_596 = arith.constant 0 : index
    %get3A_597 = vector.load %arg8[%get3A_595, %get3A_596] : memref<1x512xf32, #tpu.memory_space<vmem>>, vector<1x512xf32>
    %add3A_598 = vector.broadcast %get3A_597 : vector<1x512xf32> to vector<640x512xf32>
    %add3A_599 = arith.addf %mul3A_594, %add3A_598 : vector<640x512xf32>
    %max3A_600 = arith.constant 0.000000e+00 : f32
    %max3A_601 = vector.broadcast %max3A_600 : f32 to vector<640x512xf32>
    %max3A_602 = arith.maximumf %add3A_599, %max3A_601 : vector<640x512xf32>
    %get3A_603 = arith.constant 0 : index
    %get3A_604 = arith.constant 0 : index
    %get3A_605 = vector.load %arg15[%get3A_603, %get3A_604] : memref<512x1024xf32, #tpu.memory_space<vmem>>, vector<512x1024xf32>
    %dot_general3A_606 = arith.constant dense<0.000000e+00> : vector<640x1024xf32>
    %dot_general3A_607 = tpu.matmul %max3A_602, %get3A_605, %dot_general3A_606 {dimension_numbers = #tpu.dot_dimension_numbers<[1], [0], [0], [1], [0, 0, 1, 1], [], []>, transpose_lhs_hint = false} : vector<640x512xf32>, vector<512x1024xf32>, vector<640x1024xf32> -> vector<640x1024xf32>
    %get3A_608 = arith.constant 640 : index
    %get3A_609 = arith.constant 0 : index
    %get3A_610 = vector.load %arg11[%get3A_608, %get3A_609] : memref<5120x512xf32, #tpu.memory_space<vmem>>, vector<640x512xf32>
    %get3A_611 = arith.constant 0 : index
    %get3A_612 = arith.constant 0 : index
    %get3A_613 = vector.load %arg13[%get3A_611, %get3A_612] : memref<512x1024xf32, #tpu.memory_space<vmem>>, vector<512x1024xf32>
    %dot_general3A_614 = arith.constant dense<0.000000e+00> : vector<640x1024xf32>
    %dot_general3A_615 = tpu.matmul %get3A_610, %get3A_613, %dot_general3A_614 {dimension_numbers = #tpu.dot_dimension_numbers<[1], [0], [0], [1], [0, 0, 1, 1], [], []>, transpose_lhs_hint = false} : vector<640x512xf32>, vector<512x1024xf32>, vector<640x1024xf32> -> vector<640x1024xf32>
    %add3A_616 = arith.addf %dot_general3A_607, %dot_general3A_615 : vector<640x1024xf32>
    %get3A_617 = arith.constant 0 : index
    %get3A_618 = arith.constant 0 : index
    %get3A_619 = vector.load %arg6[%get3A_617, %get3A_618] : memref<1x1024xf32, #tpu.memory_space<vmem>>, vector<1x1024xf32>
    %add3A_620 = vector.broadcast %get3A_619 : vector<1x1024xf32> to vector<640x1024xf32>
    %add3A_621 = arith.addf %add3A_616, %add3A_620 : vector<640x1024xf32>
    %get3A_622 = arith.constant 0 : index
    %get3A_623 = arith.constant 0 : index
    %get3A_624 = vector.load %arg4[%get3A_622, %get3A_623] : memref<1x1024xf32, #tpu.memory_space<vmem>>, vector<1x1024xf32>
    %add3A_625 = vector.broadcast %get3A_624 : vector<1x1024xf32> to vector<640x1024xf32>
    %add3A_626 = arith.addf %add3A_621, %add3A_625 : vector<640x1024xf32>
    %get3A_627 = arith.constant 0 : index
    %get3A_628 = arith.constant 0 : index
    %get3A_629 = memref.load %arg9[%get3A_627, %get3A_628] : memref<4x16xi32, #tpu.memory_space<smem>>
    %sub3A_630 = arith.constant 4096 : i32
    %sub3A_631 = arith.subi %sub3A_630, %get3A_629 : i32
    %sub3A_632 = arith.constant 2 : i32
    %sub3A_633 = arith.subi %sub3A_631, %sub3A_632 : i32
    %jit3A_634 = arith.constant 1 : i32
    %jit3A_635 = arith.constant 1228 : i32
    %max3A_636 = arith.maxsi %jit3A_634, %sub3A_633 : i32
    %min3A_637 = arith.minsi %jit3A_635, %max3A_636 : i32
    %add3A_638 = arith.constant 640 : i32
    %add3A_639 = vector.broadcast %add3A_638 : i32 to vector<640x1xi32>
    %add3A_640 = arith.addi %iota3A_512, %add3A_639 : vector<640x1xi32>
    %lt3A_641 = vector.broadcast %min3A_637 : i32 to vector<640x1xi32>
    %lt3A_642 = arith.cmpi slt, %add3A_640, %lt3A_641 : vector<640x1xi32>
    %jit3A_643 = arith.constant 0xFF800000 : f32
    %broadcast_in_dim3A_644 = vector.shape_cast %lt3A_642 : vector<640x1xi1> to vector<640x1xi1>
    %broadcast_in_dim3A_645 = vector.broadcast %broadcast_in_dim3A_644 : vector<640x1xi1> to vector<640x1024xi1>
    %broadcast_in_dim3A_646 = vector.broadcast %jit3A_643 : f32 to vector<640x1024xf32>
    %select_n3A_647 = arith.select %broadcast_in_dim3A_645, %add3A_626, %broadcast_in_dim3A_646 : vector<640x1024xi1>, vector<640x1024xf32>
    %reduce_max3A_648 = arith.constant dense<0xFF800000> : vector<1024xf32>
    %reduce_max3A_649 = vector.multi_reduction <maximumf>, %select_n3A_647, %reduce_max3A_648 [0] : vector<640x1024xf32> to vector<1024xf32>
    %get3A_650 = arith.constant 0 : index
    %get3A_651 = arith.constant 0 : index
    %get3A_652 = vector.load %arg10[%get3A_650, %get3A_651] : memref<4x1024xf32, #tpu.memory_space<vmem>>, vector<1x1024xf32>
    %get3A_653 = vector.shape_cast %get3A_652 : vector<1x1024xf32> to vector<1024xf32>
    %max3A_654 = arith.maximumf %get3A_653, %reduce_max3A_649 : vector<1024xf32>
    %swap3A_655 = arith.constant 0 : index
    %swap3A_656 = arith.constant 0 : index
    %swap3A_657 = vector.load %arg10[%swap3A_655, %swap3A_656] : memref<4x1024xf32, #tpu.memory_space<vmem>>, vector<1x1024xf32>
    %swap3A_658 = vector.shape_cast %swap3A_657 : vector<1x1024xf32> to vector<1024xf32>
    %swap3A_659 = vector.shape_cast %max3A_654 : vector<1024xf32> to vector<1x1024xf32>
    tpu.vector_store %arg10[%swap3A_655, %swap3A_656], %swap3A_659 {strides = array<i32>} : memref<4x1024xf32, #tpu.memory_space<vmem>>, vector<1x1024xf32>,
    %get3A_660 = arith.constant 1280 : index
    %get3A_661 = arith.constant 0 : index
    %get3A_662 = vector.load %arg12[%get3A_660, %get3A_661] : memref<5120x512xf32, #tpu.memory_space<vmem>>, vector<640x512xf32>
    %sub3A_663 = vector.broadcast %div3A_494 : vector<1x512xf32> to vector<640x512xf32>
    %sub3A_664 = arith.subf %get3A_662, %sub3A_663 : vector<640x512xf32>
    %mul3A_665 = vector.broadcast %div3A_505 : vector<1x512xf32> to vector<640x512xf32>
    %mul3A_666 = arith.mulf %sub3A_664, %mul3A_665 : vector<640x512xf32>
    %get3A_667 = arith.constant 0 : index
    %get3A_668 = arith.constant 0 : index
    %get3A_669 = vector.load %arg7[%get3A_667, %get3A_668] : memref<1x512xf32, #tpu.memory_space<vmem>>, vector<1x512xf32>
    %mul3A_670 = vector.broadcast %get3A_669 : vector<1x512xf32> to vector<640x512xf32>
    %mul3A_671 = arith.mulf %mul3A_666, %mul3A_670 : vector<640x512xf32>
    %get3A_672 = arith.constant 0 : index
    %get3A_673 = arith.constant 0 : index
    %get3A_674 = vector.load %arg8[%get3A_672, %get3A_673] : memref<1x512xf32, #tpu.memory_space<vmem>>, vector<1x512xf32>
    %add3A_675 = vector.broadcast %get3A_674 : vector<1x512xf32> to vector<640x512xf32>
    %add3A_676 = arith.addf %mul3A_671, %add3A_675 : vector<640x512xf32>
    %max3A_677 = arith.constant 0.000000e+00 : f32
    %max3A_678 = vector.broadcast %max3A_677 : f32 to vector<640x512xf32>
    %max3A_679 = arith.maximumf %add3A_676, %max3A_678 : vector<640x512xf32>
    %get3A_680 = arith.constant 0 : index
    %get3A_681 = arith.constant 0 : index
    %get3A_682 = vector.load %arg15[%get3A_680, %get3A_681] : memref<512x1024xf32, #tpu.memory_space<vmem>>, vector<512x1024xf32>
    %dot_general3A_683 = arith.constant dense<0.000000e+00> : vector<640x1024xf32>
    %dot_general3A_684 = tpu.matmul %max3A_679, %get3A_682, %dot_general3A_683 {dimension_numbers = #tpu.dot_dimension_numbers<[1], [0], [0], [1], [0, 0, 1, 1], [], []>, transpose_lhs_hint = false} : vector<640x512xf32>, vector<512x1024xf32>, vector<640x1024xf32> -> vector<640x1024xf32>
    %get3A_685 = arith.constant 1280 : index
    %get3A_686 = arith.constant 0 : index
    %get3A_687 = vector.load %arg11[%get3A_685, %get3A_686] : memref<5120x512xf32, #tpu.memory_space<vmem>>, vector<640x512xf32>
    %get3A_688 = arith.constant 0 : index
    %get3A_689 = arith.constant 0 : index
    %get3A_690 = vector.load %arg13[%get3A_688, %get3A_689] : memref<512x1024xf32, #tpu.memory_space<vmem>>, vector<512x1024xf32>
    %dot_general3A_691 = arith.constant dense<0.000000e+00> : vector<640x1024xf32>
    %dot_general3A_692 = tpu.matmul %get3A_687, %get3A_690, %dot_general3A_691 {dimension_numbers = #tpu.dot_dimension_numbers<[1], [0], [0], [1], [0, 0, 1, 1], [], []>, transpose_lhs_hint = false} : vector<640x512xf32>, vector<512x1024xf32>, vector<640x1024xf32> -> vector<640x1024xf32>
    %add3A_693 = arith.addf %dot_general3A_684, %dot_general3A_692 : vector<640x1024xf32>
    %get3A_694 = arith.constant 0 : index
    %get3A_695 = arith.constant 0 : index
    %get3A_696 = vector.load %arg6[%get3A_694, %get3A_695] : memref<1x1024xf32, #tpu.memory_space<vmem>>, vector<1x1024xf32>
    %add3A_697 = vector.broadcast %get3A_696 : vector<1x1024xf32> to vector<640x1024xf32>
    %add3A_698 = arith.addf %add3A_693, %add3A_697 : vector<640x1024xf32>
    %get3A_699 = arith.constant 0 : index
    %get3A_700 = arith.constant 0 : index
    %get3A_701 = vector.load %arg4[%get3A_699, %get3A_700] : memref<1x1024xf32, #tpu.memory_space<vmem>>, vector<1x1024xf32>
    %add3A_702 = vector.broadcast %get3A_701 : vector<1x1024xf32> to vector<640x1024xf32>
    %add3A_703 = arith.addf %add3A_698, %add3A_702 : vector<640x1024xf32>
    %get3A_704 = arith.constant 1 : index
    %get3A_705 = arith.constant 0 : index
    %get3A_706 = memref.load %arg9[%get3A_704, %get3A_705] : memref<4x16xi32, #tpu.memory_space<smem>>
    %sub3A_707 = arith.constant 4096 : i32
    %sub3A_708 = arith.subi %sub3A_707, %get3A_706 : i32
    %sub3A_709 = arith.constant 2 : i32
    %sub3A_710 = arith.subi %sub3A_708, %sub3A_709 : i32
    %jit3A_711 = arith.constant 1 : i32
    %jit3A_712 = arith.constant 1228 : i32
    %max3A_713 = arith.maxsi %jit3A_711, %sub3A_710 : i32
    %min3A_714 = arith.minsi %jit3A_712, %max3A_713 : i32
    %add3A_715 = arith.constant 0 : i32
    %add3A_716 = vector.broadcast %add3A_715 : i32 to vector<640x1xi32>
    %add3A_717 = arith.addi %iota3A_512, %add3A_716 : vector<640x1xi32>
    %lt3A_718 = vector.broadcast %min3A_714 : i32 to vector<640x1xi32>
    %lt3A_719 = arith.cmpi slt, %add3A_717, %lt3A_718 : vector<640x1xi32>
    %jit3A_720 = arith.constant 0xFF800000 : f32
    %broadcast_in_dim3A_721 = vector.shape_cast %lt3A_719 : vector<640x1xi1> to vector<640x1xi1>
    %broadcast_in_dim3A_722 = vector.broadcast %broadcast_in_dim3A_721 : vector<640x1xi1> to vector<640x1024xi1>
    %broadcast_in_dim3A_723 = vector.broadcast %jit3A_720 : f32 to vector<640x1024xf32>
    %select_n3A_724 = arith.select %broadcast_in_dim3A_722, %add3A_703, %broadcast_in_dim3A_723 : vector<640x1024xi1>, vector<640x1024xf32>
    %reduce_max3A_725 = arith.constant dense<0xFF800000> : vector<1024xf32>
    %reduce_max3A_726 = vector.multi_reduction <maximumf>, %select_n3A_724, %reduce_max3A_725 [0] : vector<640x1024xf32> to vector<1024xf32>
    %swap3A_727 = arith.constant 1 : index
    %swap3A_728 = arith.constant 0 : index
    %swap3A_729 = vector.load %arg10[%swap3A_727, %swap3A_728] : memref<4x1024xf32, #tpu.memory_space<vmem>>, vector<1x1024xf32>
    %swap3A_730 = vector.shape_cast %swap3A_729 : vector<1x1024xf32> to vector<1024xf32>
    %swap3A_731 = vector.shape_cast %reduce_max3A_726 : vector<1024xf32> to vector<1x1024xf32>
    tpu.vector_store %arg10[%swap3A_727, %swap3A_728], %swap3A_731 {strides = array<i32>} : memref<4x1024xf32, #tpu.memory_space<vmem>>, vector<1x1024xf32>,
    %get3A_732 = arith.constant 1920 : index
    %get3A_733 = arith.constant 0 : index
    %get3A_734 = vector.load %arg12[%get3A_732, %get3A_733] : memref<5120x512xf32, #tpu.memory_space<vmem>>, vector<640x512xf32>
    %sub3A_735 = vector.broadcast %div3A_494 : vector<1x512xf32> to vector<640x512xf32>
    %sub3A_736 = arith.subf %get3A_734, %sub3A_735 : vector<640x512xf32>
    %mul3A_737 = vector.broadcast %div3A_505 : vector<1x512xf32> to vector<640x512xf32>
    %mul3A_738 = arith.mulf %sub3A_736, %mul3A_737 : vector<640x512xf32>
    %get3A_739 = arith.constant 0 : index
    %get3A_740 = arith.constant 0 : index
    %get3A_741 = vector.load %arg7[%get3A_739, %get3A_740] : memref<1x512xf32, #tpu.memory_space<vmem>>, vector<1x512xf32>
    %mul3A_742 = vector.broadcast %get3A_741 : vector<1x512xf32> to vector<640x512xf32>
    %mul3A_743 = arith.mulf %mul3A_738, %mul3A_742 : vector<640x512xf32>
    %get3A_744 = arith.constant 0 : index
    %get3A_745 = arith.constant 0 : index
    %get3A_746 = vector.load %arg8[%get3A_744, %get3A_745] : memref<1x512xf32, #tpu.memory_space<vmem>>, vector<1x512xf32>
    %add3A_747 = vector.broadcast %get3A_746 : vector<1x512xf32> to vector<640x512xf32>
    %add3A_748 = arith.addf %mul3A_743, %add3A_747 : vector<640x512xf32>
    %max3A_749 = arith.constant 0.000000e+00 : f32
    %max3A_750 = vector.broadcast %max3A_749 : f32 to vector<640x512xf32>
    %max3A_751 = arith.maximumf %add3A_748, %max3A_750 : vector<640x512xf32>
    %get3A_752 = arith.constant 0 : index
    %get3A_753 = arith.constant 0 : index
    %get3A_754 = vector.load %arg15[%get3A_752, %get3A_753] : memref<512x1024xf32, #tpu.memory_space<vmem>>, vector<512x1024xf32>
    %dot_general3A_755 = arith.constant dense<0.000000e+00> : vector<640x1024xf32>
    %dot_general3A_756 = tpu.matmul %max3A_751, %get3A_754, %dot_general3A_755 {dimension_numbers = #tpu.dot_dimension_numbers<[1], [0], [0], [1], [0, 0, 1, 1], [], []>, transpose_lhs_hint = false} : vector<640x512xf32>, vector<512x1024xf32>, vector<640x1024xf32> -> vector<640x1024xf32>
    %get3A_757 = arith.constant 1920 : index
    %get3A_758 = arith.constant 0 : index
    %get3A_759 = vector.load %arg11[%get3A_757, %get3A_758] : memref<5120x512xf32, #tpu.memory_space<vmem>>, vector<640x512xf32>
    %get3A_760 = arith.constant 0 : index
    %get3A_761 = arith.constant 0 : index
    %get3A_762 = vector.load %arg13[%get3A_760, %get3A_761] : memref<512x1024xf32, #tpu.memory_space<vmem>>, vector<512x1024xf32>
    %dot_general3A_763 = arith.constant dense<0.000000e+00> : vector<640x1024xf32>
    %dot_general3A_764 = tpu.matmul %get3A_759, %get3A_762, %dot_general3A_763 {dimension_numbers = #tpu.dot_dimension_numbers<[1], [0], [0], [1], [0, 0, 1, 1], [], []>, transpose_lhs_hint = false} : vector<640x512xf32>, vector<512x1024xf32>, vector<640x1024xf32> -> vector<640x1024xf32>
    %add3A_765 = arith.addf %dot_general3A_756, %dot_general3A_764 : vector<640x1024xf32>
    %get3A_766 = arith.constant 0 : index
    %get3A_767 = arith.constant 0 : index
    %get3A_768 = vector.load %arg6[%get3A_766, %get3A_767] : memref<1x1024xf32, #tpu.memory_space<vmem>>, vector<1x1024xf32>
    %add3A_769 = vector.broadcast %get3A_768 : vector<1x1024xf32> to vector<640x1024xf32>
    %add3A_770 = arith.addf %add3A_765, %add3A_769 : vector<640x1024xf32>
    %get3A_771 = arith.constant 0 : index
    %get3A_772 = arith.constant 0 : index
    %get3A_773 = vector.load %arg4[%get3A_771, %get3A_772] : memref<1x1024xf32, #tpu.memory_space<vmem>>, vector<1x1024xf32>
    %add3A_774 = vector.broadcast %get3A_773 : vector<1x1024xf32> to vector<640x1024xf32>
    %add3A_775 = arith.addf %add3A_770, %add3A_774 : vector<640x1024xf32>
    %get3A_776 = arith.constant 1 : index
    %get3A_777 = arith.constant 0 : index
    %get3A_778 = memref.load %arg9[%get3A_776, %get3A_777] : memref<4x16xi32, #tpu.memory_space<smem>>
    %sub3A_779 = arith.constant 4096 : i32
    %sub3A_780 = arith.subi %sub3A_779, %get3A_778 : i32
    %sub3A_781 = arith.constant 2 : i32
    %sub3A_782 = arith.subi %sub3A_780, %sub3A_781 : i32
    %jit3A_783 = arith.constant 1 : i32
    %jit3A_784 = arith.constant 1228 : i32
    %max3A_785 = arith.maxsi %jit3A_783, %sub3A_782 : i32
    %min3A_786 = arith.minsi %jit3A_784, %max3A_785 : i32
    %add3A_787 = arith.constant 640 : i32
    %add3A_788 = vector.broadcast %add3A_787 : i32 to vector<640x1xi32>
    %add3A_789 = arith.addi %iota3A_512, %add3A_788 : vector<640x1xi32>
    %lt3A_790 = vector.broadcast %min3A_786 : i32 to vector<640x1xi32>
    %lt3A_791 = arith.cmpi slt, %add3A_789, %lt3A_790 : vector<640x1xi32>
    %jit3A_792 = arith.constant 0xFF800000 : f32
    %broadcast_in_dim3A_793 = vector.shape_cast %lt3A_791 : vector<640x1xi1> to vector<640x1xi1>
    %broadcast_in_dim3A_794 = vector.broadcast %broadcast_in_dim3A_793 : vector<640x1xi1> to vector<640x1024xi1>
    %broadcast_in_dim3A_795 = vector.broadcast %jit3A_792 : f32 to vector<640x1024xf32>
    %select_n3A_796 = arith.select %broadcast_in_dim3A_794, %add3A_775, %broadcast_in_dim3A_795 : vector<640x1024xi1>, vector<640x1024xf32>
    %reduce_max3A_797 = arith.constant dense<0xFF800000> : vector<1024xf32>
    %reduce_max3A_798 = vector.multi_reduction <maximumf>, %select_n3A_796, %reduce_max3A_797 [0] : vector<640x1024xf32> to vector<1024xf32>
    %get3A_799 = arith.constant 1 : index
    %get3A_800 = arith.constant 0 : index
    %get3A_801 = vector.load %arg10[%get3A_799, %get3A_800] : memref<4x1024xf32, #tpu.memory_space<vmem>>, vector<1x1024xf32>
    %get3A_802 = vector.shape_cast %get3A_801 : vector<1x1024xf32> to vector<1024xf32>
    %max3A_803 = arith.maximumf %get3A_802, %reduce_max3A_798 : vector<1024xf32>
    %swap3A_804 = arith.constant 1 : index
    %swap3A_805 = arith.constant 0 : index
    %swap3A_806 = vector.load %arg10[%swap3A_804, %swap3A_805] : memref<4x1024xf32, #tpu.memory_space<vmem>>, vector<1x1024xf32>
    %swap3A_807 = vector.shape_cast %swap3A_806 : vector<1x1024xf32> to vector<1024xf32>
    %swap3A_808 = vector.shape_cast %max3A_803 : vector<1024xf32> to vector<1x1024xf32>
    tpu.vector_store %arg10[%swap3A_804, %swap3A_805], %swap3A_808 {strides = array<i32>} : memref<4x1024xf32, #tpu.memory_space<vmem>>, vector<1x1024xf32>,
    %get3A_809 = arith.constant 2560 : index
    %get3A_810 = arith.constant 0 : index
    %get3A_811 = vector.load %arg12[%get3A_809, %get3A_810] : memref<5120x512xf32, #tpu.memory_space<vmem>>, vector<640x512xf32>
    %sub3A_812 = vector.broadcast %div3A_494 : vector<1x512xf32> to vector<640x512xf32>
    %sub3A_813 = arith.subf %get3A_811, %sub3A_812 : vector<640x512xf32>
    %mul3A_814 = vector.broadcast %div3A_505 : vector<1x512xf32> to vector<640x512xf32>
    %mul3A_815 = arith.mulf %sub3A_813, %mul3A_814 : vector<640x512xf32>
    %get3A_816 = arith.constant 0 : index
    %get3A_817 = arith.constant 0 : index
    %get3A_818 = vector.load %arg7[%get3A_816, %get3A_817] : memref<1x512xf32, #tpu.memory_space<vmem>>, vector<1x512xf32>
    %mul3A_819 = vector.broadcast %get3A_818 : vector<1x512xf32> to vector<640x512xf32>
    %mul3A_820 = arith.mulf %mul3A_815, %mul3A_819 : vector<640x512xf32>
    %get3A_821 = arith.constant 0 : index
    %get3A_822 = arith.constant 0 : index
    %get3A_823 = vector.load %arg8[%get3A_821, %get3A_822] : memref<1x512xf32, #tpu.memory_space<vmem>>, vector<1x512xf32>
    %add3A_824 = vector.broadcast %get3A_823 : vector<1x512xf32> to vector<640x512xf32>
    %add3A_825 = arith.addf %mul3A_820, %add3A_824 : vector<640x512xf32>
    %max3A_826 = arith.constant 0.000000e+00 : f32
    %max3A_827 = vector.broadcast %max3A_826 : f32 to vector<640x512xf32>
    %max3A_828 = arith.maximumf %add3A_825, %max3A_827 : vector<640x512xf32>
    %get3A_829 = arith.constant 0 : index
    %get3A_830 = arith.constant 0 : index
    %get3A_831 = vector.load %arg15[%get3A_829, %get3A_830] : memref<512x1024xf32, #tpu.memory_space<vmem>>, vector<512x1024xf32>
    %dot_general3A_832 = arith.constant dense<0.000000e+00> : vector<640x1024xf32>
    %dot_general3A_833 = tpu.matmul %max3A_828, %get3A_831, %dot_general3A_832 {dimension_numbers = #tpu.dot_dimension_numbers<[1], [0], [0], [1], [0, 0, 1, 1], [], []>, transpose_lhs_hint = false} : vector<640x512xf32>, vector<512x1024xf32>, vector<640x1024xf32> -> vector<640x1024xf32>
    %get3A_834 = arith.constant 2560 : index
    %get3A_835 = arith.constant 0 : index
    %get3A_836 = vector.load %arg11[%get3A_834, %get3A_835] : memref<5120x512xf32, #tpu.memory_space<vmem>>, vector<640x512xf32>
    %get3A_837 = arith.constant 0 : index
    %get3A_838 = arith.constant 0 : index
    %get3A_839 = vector.load %arg13[%get3A_837, %get3A_838] : memref<512x1024xf32, #tpu.memory_space<vmem>>, vector<512x1024xf32>
    %dot_general3A_840 = arith.constant dense<0.000000e+00> : vector<640x1024xf32>
    %dot_general3A_841 = tpu.matmul %get3A_836, %get3A_839, %dot_general3A_840 {dimension_numbers = #tpu.dot_dimension_numbers<[1], [0], [0], [1], [0, 0, 1, 1], [], []>, transpose_lhs_hint = false} : vector<640x512xf32>, vector<512x1024xf32>, vector<640x1024xf32> -> vector<640x1024xf32>
    %add3A_842 = arith.addf %dot_general3A_833, %dot_general3A_841 : vector<640x1024xf32>
    %get3A_843 = arith.constant 0 : index
    %get3A_844 = arith.constant 0 : index
    %get3A_845 = vector.load %arg6[%get3A_843, %get3A_844] : memref<1x1024xf32, #tpu.memory_space<vmem>>, vector<1x1024xf32>
    %add3A_846 = vector.broadcast %get3A_845 : vector<1x1024xf32> to vector<640x1024xf32>
    %add3A_847 = arith.addf %add3A_842, %add3A_846 : vector<640x1024xf32>
    %get3A_848 = arith.constant 0 : index
    %get3A_849 = arith.constant 0 : index
    %get3A_850 = vector.load %arg4[%get3A_848, %get3A_849] : memref<1x1024xf32, #tpu.memory_space<vmem>>, vector<1x1024xf32>
    %add3A_851 = vector.broadcast %get3A_850 : vector<1x1024xf32> to vector<640x1024xf32>
    %add3A_852 = arith.addf %add3A_847, %add3A_851 : vector<640x1024xf32>
    %get3A_853 = arith.constant 2 : index
    %get3A_854 = arith.constant 0 : index
    %get3A_855 = memref.load %arg9[%get3A_853, %get3A_854] : memref<4x16xi32, #tpu.memory_space<smem>>
    %sub3A_856 = arith.constant 4096 : i32
    %sub3A_857 = arith.subi %sub3A_856, %get3A_855 : i32
    %sub3A_858 = arith.constant 2 : i32
    %sub3A_859 = arith.subi %sub3A_857, %sub3A_858 : i32
    %jit3A_860 = arith.constant 1 : i32
    %jit3A_861 = arith.constant 1228 : i32
    %max3A_862 = arith.maxsi %jit3A_860, %sub3A_859 : i32
    %min3A_863 = arith.minsi %jit3A_861, %max3A_862 : i32
    %add3A_864 = arith.constant 0 : i32
    %add3A_865 = vector.broadcast %add3A_864 : i32 to vector<640x1xi32>
    %add3A_866 = arith.addi %iota3A_512, %add3A_865 : vector<640x1xi32>
    %lt3A_867 = vector.broadcast %min3A_863 : i32 to vector<640x1xi32>
    %lt3A_868 = arith.cmpi slt, %add3A_866, %lt3A_867 : vector<640x1xi32>
    %jit3A_869 = arith.constant 0xFF800000 : f32
    %broadcast_in_dim3A_870 = vector.shape_cast %lt3A_868 : vector<640x1xi1> to vector<640x1xi1>
    %broadcast_in_dim3A_871 = vector.broadcast %broadcast_in_dim3A_870 : vector<640x1xi1> to vector<640x1024xi1>
    %broadcast_in_dim3A_872 = vector.broadcast %jit3A_869 : f32 to vector<640x1024xf32>
    %select_n3A_873 = arith.select %broadcast_in_dim3A_871, %add3A_852, %broadcast_in_dim3A_872 : vector<640x1024xi1>, vector<640x1024xf32>
    %reduce_max3A_874 = arith.constant dense<0xFF800000> : vector<1024xf32>
    %reduce_max3A_875 = vector.multi_reduction <maximumf>, %select_n3A_873, %reduce_max3A_874 [0] : vector<640x1024xf32> to vector<1024xf32>
    %swap3A_876 = arith.constant 2 : index
    %swap3A_877 = arith.constant 0 : index
    %swap3A_878 = vector.load %arg10[%swap3A_876, %swap3A_877] : memref<4x1024xf32, #tpu.memory_space<vmem>>, vector<1x1024xf32>
    %swap3A_879 = vector.shape_cast %swap3A_878 : vector<1x1024xf32> to vector<1024xf32>
    %swap3A_880 = vector.shape_cast %reduce_max3A_875 : vector<1024xf32> to vector<1x1024xf32>
    tpu.vector_store %arg10[%swap3A_876, %swap3A_877], %swap3A_880 {strides = array<i32>} : memref<4x1024xf32, #tpu.memory_space<vmem>>, vector<1x1024xf32>,
    %get3A_881 = arith.constant 3200 : index
    %get3A_882 = arith.constant 0 : index
    %get3A_883 = vector.load %arg12[%get3A_881, %get3A_882] : memref<5120x512xf32, #tpu.memory_space<vmem>>, vector<640x512xf32>
    %sub3A_884 = vector.broadcast %div3A_494 : vector<1x512xf32> to vector<640x512xf32>
    %sub3A_885 = arith.subf %get3A_883, %sub3A_884 : vector<640x512xf32>
    %mul3A_886 = vector.broadcast %div3A_505 : vector<1x512xf32> to vector<640x512xf32>
    %mul3A_887 = arith.mulf %sub3A_885, %mul3A_886 : vector<640x512xf32>
    %get3A_888 = arith.constant 0 : index
    %get3A_889 = arith.constant 0 : index
    %get3A_890 = vector.load %arg7[%get3A_888, %get3A_889] : memref<1x512xf32, #tpu.memory_space<vmem>>, vector<1x512xf32>
    %mul3A_891 = vector.broadcast %get3A_890 : vector<1x512xf32> to vector<640x512xf32>
    %mul3A_892 = arith.mulf %mul3A_887, %mul3A_891 : vector<640x512xf32>
    %get3A_893 = arith.constant 0 : index
    %get3A_894 = arith.constant 0 : index
    %get3A_895 = vector.load %arg8[%get3A_893, %get3A_894] : memref<1x512xf32, #tpu.memory_space<vmem>>, vector<1x512xf32>
    %add3A_896 = vector.broadcast %get3A_895 : vector<1x512xf32> to vector<640x512xf32>
    %add3A_897 = arith.addf %mul3A_892, %add3A_896 : vector<640x512xf32>
    %max3A_898 = arith.constant 0.000000e+00 : f32
    %max3A_899 = vector.broadcast %max3A_898 : f32 to vector<640x512xf32>
    %max3A_900 = arith.maximumf %add3A_897, %max3A_899 : vector<640x512xf32>
    %get3A_901 = arith.constant 0 : index
    %get3A_902 = arith.constant 0 : index
    %get3A_903 = vector.load %arg15[%get3A_901, %get3A_902] : memref<512x1024xf32, #tpu.memory_space<vmem>>, vector<512x1024xf32>
    %dot_general3A_904 = arith.constant dense<0.000000e+00> : vector<640x1024xf32>
    %dot_general3A_905 = tpu.matmul %max3A_900, %get3A_903, %dot_general3A_904 {dimension_numbers = #tpu.dot_dimension_numbers<[1], [0], [0], [1], [0, 0, 1, 1], [], []>, transpose_lhs_hint = false} : vector<640x512xf32>, vector<512x1024xf32>, vector<640x1024xf32> -> vector<640x1024xf32>
    %get3A_906 = arith.constant 3200 : index
    %get3A_907 = arith.constant 0 : index
    %get3A_908 = vector.load %arg11[%get3A_906, %get3A_907] : memref<5120x512xf32, #tpu.memory_space<vmem>>, vector<640x512xf32>
    %get3A_909 = arith.constant 0 : index
    %get3A_910 = arith.constant 0 : index
    %get3A_911 = vector.load %arg13[%get3A_909, %get3A_910] : memref<512x1024xf32, #tpu.memory_space<vmem>>, vector<512x1024xf32>
    %dot_general3A_912 = arith.constant dense<0.000000e+00> : vector<640x1024xf32>
    %dot_general3A_913 = tpu.matmul %get3A_908, %get3A_911, %dot_general3A_912 {dimension_numbers = #tpu.dot_dimension_numbers<[1], [0], [0], [1], [0, 0, 1, 1], [], []>, transpose_lhs_hint = false} : vector<640x512xf32>, vector<512x1024xf32>, vector<640x1024xf32> -> vector<640x1024xf32>
    %add3A_914 = arith.addf %dot_general3A_905, %dot_general3A_913 : vector<640x1024xf32>
    %get3A_915 = arith.constant 0 : index
    %get3A_916 = arith.constant 0 : index
    %get3A_917 = vector.load %arg6[%get3A_915, %get3A_916] : memref<1x1024xf32, #tpu.memory_space<vmem>>, vector<1x1024xf32>
    %add3A_918 = vector.broadcast %get3A_917 : vector<1x1024xf32> to vector<640x1024xf32>
    %add3A_919 = arith.addf %add3A_914, %add3A_918 : vector<640x1024xf32>
    %get3A_920 = arith.constant 0 : index
    %get3A_921 = arith.constant 0 : index
    %get3A_922 = vector.load %arg4[%get3A_920, %get3A_921] : memref<1x1024xf32, #tpu.memory_space<vmem>>, vector<1x1024xf32>
    %add3A_923 = vector.broadcast %get3A_922 : vector<1x1024xf32> to vector<640x1024xf32>
    %add3A_924 = arith.addf %add3A_919, %add3A_923 : vector<640x1024xf32>
    %get3A_925 = arith.constant 2 : index
    %get3A_926 = arith.constant 0 : index
    %get3A_927 = memref.load %arg9[%get3A_925, %get3A_926] : memref<4x16xi32, #tpu.memory_space<smem>>
    %sub3A_928 = arith.constant 4096 : i32
    %sub3A_929 = arith.subi %sub3A_928, %get3A_927 : i32
    %sub3A_930 = arith.constant 2 : i32
    %sub3A_931 = arith.subi %sub3A_929, %sub3A_930 : i32
    %jit3A_932 = arith.constant 1 : i32
    %jit3A_933 = arith.constant 1228 : i32
    %max3A_934 = arith.maxsi %jit3A_932, %sub3A_931 : i32
    %min3A_935 = arith.minsi %jit3A_933, %max3A_934 : i32
    %add3A_936 = arith.constant 640 : i32
    %add3A_937 = vector.broadcast %add3A_936 : i32 to vector<640x1xi32>
    %add3A_938 = arith.addi %iota3A_512, %add3A_937 : vector<640x1xi32>
    %lt3A_939 = vector.broadcast %min3A_935 : i32 to vector<640x1xi32>
    %lt3A_940 = arith.cmpi slt, %add3A_938, %lt3A_939 : vector<640x1xi32>
    %jit3A_941 = arith.constant 0xFF800000 : f32
    %broadcast_in_dim3A_942 = vector.shape_cast %lt3A_940 : vector<640x1xi1> to vector<640x1xi1>
    %broadcast_in_dim3A_943 = vector.broadcast %broadcast_in_dim3A_942 : vector<640x1xi1> to vector<640x1024xi1>
    %broadcast_in_dim3A_944 = vector.broadcast %jit3A_941 : f32 to vector<640x1024xf32>
    %select_n3A_945 = arith.select %broadcast_in_dim3A_943, %add3A_924, %broadcast_in_dim3A_944 : vector<640x1024xi1>, vector<640x1024xf32>
    %reduce_max3A_946 = arith.constant dense<0xFF800000> : vector<1024xf32>
    %reduce_max3A_947 = vector.multi_reduction <maximumf>, %select_n3A_945, %reduce_max3A_946 [0] : vector<640x1024xf32> to vector<1024xf32>
    %get3A_948 = arith.constant 2 : index
    %get3A_949 = arith.constant 0 : index
    %get3A_950 = vector.load %arg10[%get3A_948, %get3A_949] : memref<4x1024xf32, #tpu.memory_space<vmem>>, vector<1x1024xf32>
    %get3A_951 = vector.shape_cast %get3A_950 : vector<1x1024xf32> to vector<1024xf32>
    %max3A_952 = arith.maximumf %get3A_951, %reduce_max3A_947 : vector<1024xf32>
    %swap3A_953 = arith.constant 2 : index
    %swap3A_954 = arith.constant 0 : index
    %swap3A_955 = vector.load %arg10[%swap3A_953, %swap3A_954] : memref<4x1024xf32, #tpu.memory_space<vmem>>, vector<1x1024xf32>
    %swap3A_956 = vector.shape_cast %swap3A_955 : vector<1x1024xf32> to vector<1024xf32>
    %swap3A_957 = vector.shape_cast %max3A_952 : vector<1024xf32> to vector<1x1024xf32>
    tpu.vector_store %arg10[%swap3A_953, %swap3A_954], %swap3A_957 {strides = array<i32>} : memref<4x1024xf32, #tpu.memory_space<vmem>>, vector<1x1024xf32>,
    %get3A_958 = arith.constant 3840 : index
    %get3A_959 = arith.constant 0 : index
    %get3A_960 = vector.load %arg12[%get3A_958, %get3A_959] : memref<5120x512xf32, #tpu.memory_space<vmem>>, vector<640x512xf32>
    %sub3A_961 = vector.broadcast %div3A_494 : vector<1x512xf32> to vector<640x512xf32>
    %sub3A_962 = arith.subf %get3A_960, %sub3A_961 : vector<640x512xf32>
    %mul3A_963 = vector.broadcast %div3A_505 : vector<1x512xf32> to vector<640x512xf32>
    %mul3A_964 = arith.mulf %sub3A_962, %mul3A_963 : vector<640x512xf32>
    %get3A_965 = arith.constant 0 : index
    %get3A_966 = arith.constant 0 : index
    %get3A_967 = vector.load %arg7[%get3A_965, %get3A_966] : memref<1x512xf32, #tpu.memory_space<vmem>>, vector<1x512xf32>
    %mul3A_968 = vector.broadcast %get3A_967 : vector<1x512xf32> to vector<640x512xf32>
    %mul3A_969 = arith.mulf %mul3A_964, %mul3A_968 : vector<640x512xf32>
    %get3A_970 = arith.constant 0 : index
    %get3A_971 = arith.constant 0 : index
    %get3A_972 = vector.load %arg8[%get3A_970, %get3A_971] : memref<1x512xf32, #tpu.memory_space<vmem>>, vector<1x512xf32>
    %add3A_973 = vector.broadcast %get3A_972 : vector<1x512xf32> to vector<640x512xf32>
    %add3A_974 = arith.addf %mul3A_969, %add3A_973 : vector<640x512xf32>
    %max3A_975 = arith.constant 0.000000e+00 : f32
    %max3A_976 = vector.broadcast %max3A_975 : f32 to vector<640x512xf32>
    %max3A_977 = arith.maximumf %add3A_974, %max3A_976 : vector<640x512xf32>
    %get3A_978 = arith.constant 0 : index
    %get3A_979 = arith.constant 0 : index
    %get3A_980 = vector.load %arg15[%get3A_978, %get3A_979] : memref<512x1024xf32, #tpu.memory_space<vmem>>, vector<512x1024xf32>
    %dot_general3A_981 = arith.constant dense<0.000000e+00> : vector<640x1024xf32>
    %dot_general3A_982 = tpu.matmul %max3A_977, %get3A_980, %dot_general3A_981 {dimension_numbers = #tpu.dot_dimension_numbers<[1], [0], [0], [1], [0, 0, 1, 1], [], []>, transpose_lhs_hint = false} : vector<640x512xf32>, vector<512x1024xf32>, vector<640x1024xf32> -> vector<640x1024xf32>
    %get3A_983 = arith.constant 3840 : index
    %get3A_984 = arith.constant 0 : index
    %get3A_985 = vector.load %arg11[%get3A_983, %get3A_984] : memref<5120x512xf32, #tpu.memory_space<vmem>>, vector<640x512xf32>
    %get3A_986 = arith.constant 0 : index
    %get3A_987 = arith.constant 0 : index
    %get3A_988 = vector.load %arg13[%get3A_986, %get3A_987] : memref<512x1024xf32, #tpu.memory_space<vmem>>, vector<512x1024xf32>
    %dot_general3A_989 = arith.constant dense<0.000000e+00> : vector<640x1024xf32>
    %dot_general3A_990 = tpu.matmul %get3A_985, %get3A_988, %dot_general3A_989 {dimension_numbers = #tpu.dot_dimension_numbers<[1], [0], [0], [1], [0, 0, 1, 1], [], []>, transpose_lhs_hint = false} : vector<640x512xf32>, vector<512x1024xf32>, vector<640x1024xf32> -> vector<640x1024xf32>
    %add3A_991 = arith.addf %dot_general3A_982, %dot_general3A_990 : vector<640x1024xf32>
    %get3A_992 = arith.constant 0 : index
    %get3A_993 = arith.constant 0 : index
    %get3A_994 = vector.load %arg6[%get3A_992, %get3A_993] : memref<1x1024xf32, #tpu.memory_space<vmem>>, vector<1x1024xf32>
    %add3A_995 = vector.broadcast %get3A_994 : vector<1x1024xf32> to vector<640x1024xf32>
    %add3A_996 = arith.addf %add3A_991, %add3A_995 : vector<640x1024xf32>
    %get3A_997 = arith.constant 0 : index
    %get3A_998 = arith.constant 0 : index
    %get3A_999 = vector.load %arg4[%get3A_997, %get3A_998] : memref<1x1024xf32, #tpu.memory_space<vmem>>, vector<1x1024xf32>
    %add3A_1000 = vector.broadcast %get3A_999 : vector<1x1024xf32> to vector<640x1024xf32>
    %add3A_1001 = arith.addf %add3A_996, %add3A_1000 : vector<640x1024xf32>
    %get3A_1002 = arith.constant 3 : index
    %get3A_1003 = arith.constant 0 : index
    %get3A_1004 = memref.load %arg9[%get3A_1002, %get3A_1003] : memref<4x16xi32, #tpu.memory_space<smem>>
    %sub3A_1005 = arith.constant 4096 : i32
    %sub3A_1006 = arith.subi %sub3A_1005, %get3A_1004 : i32
    %sub3A_1007 = arith.constant 2 : i32
    %sub3A_1008 = arith.subi %sub3A_1006, %sub3A_1007 : i32
    %jit3A_1009 = arith.constant 1 : i32
    %jit3A_1010 = arith.constant 1228 : i32
    %max3A_1011 = arith.maxsi %jit3A_1009, %sub3A_1008 : i32
    %min3A_1012 = arith.minsi %jit3A_1010, %max3A_1011 : i32
    %add3A_1013 = arith.constant 0 : i32
    %add3A_1014 = vector.broadcast %add3A_1013 : i32 to vector<640x1xi32>
    %add3A_1015 = arith.addi %iota3A_512, %add3A_1014 : vector<640x1xi32>
    %lt3A_1016 = vector.broadcast %min3A_1012 : i32 to vector<640x1xi32>
    %lt3A_1017 = arith.cmpi slt, %add3A_1015, %lt3A_1016 : vector<640x1xi32>
    %jit3A_1018 = arith.constant 0xFF800000 : f32
    %broadcast_in_dim3A_1019 = vector.shape_cast %lt3A_1017 : vector<640x1xi1> to vector<640x1xi1>
    %broadcast_in_dim3A_1020 = vector.broadcast %broadcast_in_dim3A_1019 : vector<640x1xi1> to vector<640x1024xi1>
    %broadcast_in_dim3A_1021 = vector.broadcast %jit3A_1018 : f32 to vector<640x1024xf32>
    %select_n3A_1022 = arith.select %broadcast_in_dim3A_1020, %add3A_1001, %broadcast_in_dim3A_1021 : vector<640x1024xi1>, vector<640x1024xf32>
    %reduce_max3A_1023 = arith.constant dense<0xFF800000> : vector<1024xf32>
    %reduce_max3A_1024 = vector.multi_reduction <maximumf>, %select_n3A_1022, %reduce_max3A_1023 [0] : vector<640x1024xf32> to vector<1024xf32>
    %swap3A_1025 = arith.constant 3 : index
    %swap3A_1026 = arith.constant 0 : index
    %swap3A_1027 = vector.load %arg10[%swap3A_1025, %swap3A_1026] : memref<4x1024xf32, #tpu.memory_space<vmem>>, vector<1x1024xf32>
    %swap3A_1028 = vector.shape_cast %swap3A_1027 : vector<1x1024xf32> to vector<1024xf32>
    %swap3A_1029 = vector.shape_cast %reduce_max3A_1024 : vector<1024xf32> to vector<1x1024xf32>
    tpu.vector_store %arg10[%swap3A_1025, %swap3A_1026], %swap3A_1029 {strides = array<i32>} : memref<4x1024xf32, #tpu.memory_space<vmem>>, vector<1x1024xf32>,
    %get3A_1030 = arith.constant 4480 : index
    %get3A_1031 = arith.constant 0 : index
    %get3A_1032 = vector.load %arg12[%get3A_1030, %get3A_1031] : memref<5120x512xf32, #tpu.memory_space<vmem>>, vector<640x512xf32>
    %sub3A_1033 = vector.broadcast %div3A_494 : vector<1x512xf32> to vector<640x512xf32>
    %sub3A_1034 = arith.subf %get3A_1032, %sub3A_1033 : vector<640x512xf32>
    %mul3A_1035 = vector.broadcast %div3A_505 : vector<1x512xf32> to vector<640x512xf32>
    %mul3A_1036 = arith.mulf %sub3A_1034, %mul3A_1035 : vector<640x512xf32>
    %get3A_1037 = arith.constant 0 : index
    %get3A_1038 = arith.constant 0 : index
    %get3A_1039 = vector.load %arg7[%get3A_1037, %get3A_1038] : memref<1x512xf32, #tpu.memory_space<vmem>>, vector<1x512xf32>
    %mul3A_1040 = vector.broadcast %get3A_1039 : vector<1x512xf32> to vector<640x512xf32>
    %mul3A_1041 = arith.mulf %mul3A_1036, %mul3A_1040 : vector<640x512xf32>
    %get3A_1042 = arith.constant 0 : index
    %get3A_1043 = arith.constant 0 : index
    %get3A_1044 = vector.load %arg8[%get3A_1042, %get3A_1043] : memref<1x512xf32, #tpu.memory_space<vmem>>, vector<1x512xf32>
    %add3A_1045 = vector.broadcast %get3A_1044 : vector<1x512xf32> to vector<640x512xf32>
    %add3A_1046 = arith.addf %mul3A_1041, %add3A_1045 : vector<640x512xf32>
    %max3A_1047 = arith.constant 0.000000e+00 : f32
    %max3A_1048 = vector.broadcast %max3A_1047 : f32 to vector<640x512xf32>
    %max3A_1049 = arith.maximumf %add3A_1046, %max3A_1048 : vector<640x512xf32>
    %get3A_1050 = arith.constant 0 : index
    %get3A_1051 = arith.constant 0 : index
    %get3A_1052 = vector.load %arg15[%get3A_1050, %get3A_1051] : memref<512x1024xf32, #tpu.memory_space<vmem>>, vector<512x1024xf32>
    %dot_general3A_1053 = arith.constant dense<0.000000e+00> : vector<640x1024xf32>
    %dot_general3A_1054 = tpu.matmul %max3A_1049, %get3A_1052, %dot_general3A_1053 {dimension_numbers = #tpu.dot_dimension_numbers<[1], [0], [0], [1], [0, 0, 1, 1], [], []>, transpose_lhs_hint = false} : vector<640x512xf32>, vector<512x1024xf32>, vector<640x1024xf32> -> vector<640x1024xf32>
    %get3A_1055 = arith.constant 4480 : index
    %get3A_1056 = arith.constant 0 : index
    %get3A_1057 = vector.load %arg11[%get3A_1055, %get3A_1056] : memref<5120x512xf32, #tpu.memory_space<vmem>>, vector<640x512xf32>
    %get3A_1058 = arith.constant 0 : index
    %get3A_1059 = arith.constant 0 : index
    %get3A_1060 = vector.load %arg13[%get3A_1058, %get3A_1059] : memref<512x1024xf32, #tpu.memory_space<vmem>>, vector<512x1024xf32>
    %dot_general3A_1061 = arith.constant dense<0.000000e+00> : vector<640x1024xf32>
    %dot_general3A_1062 = tpu.matmul %get3A_1057, %get3A_1060, %dot_general3A_1061 {dimension_numbers = #tpu.dot_dimension_numbers<[1], [0], [0], [1], [0, 0, 1, 1], [], []>, transpose_lhs_hint = false} : vector<640x512xf32>, vector<512x1024xf32>, vector<640x1024xf32> -> vector<640x1024xf32>
    %add3A_1063 = arith.addf %dot_general3A_1054, %dot_general3A_1062 : vector<640x1024xf32>
    %get3A_1064 = arith.constant 0 : index
    %get3A_1065 = arith.constant 0 : index
    %get3A_1066 = vector.load %arg6[%get3A_1064, %get3A_1065] : memref<1x1024xf32, #tpu.memory_space<vmem>>, vector<1x1024xf32>
    %add3A_1067 = vector.broadcast %get3A_1066 : vector<1x1024xf32> to vector<640x1024xf32>
    %add3A_1068 = arith.addf %add3A_1063, %add3A_1067 : vector<640x1024xf32>
    %get3A_1069 = arith.constant 0 : index
    %get3A_1070 = arith.constant 0 : index
    %get3A_1071 = vector.load %arg4[%get3A_1069, %get3A_1070] : memref<1x1024xf32, #tpu.memory_space<vmem>>, vector<1x1024xf32>
    %add3A_1072 = vector.broadcast %get3A_1071 : vector<1x1024xf32> to vector<640x1024xf32>
    %add3A_1073 = arith.addf %add3A_1068, %add3A_1072 : vector<640x1024xf32>
    %get3A_1074 = arith.constant 3 : index
    %get3A_1075 = arith.constant 0 : index
    %get3A_1076 = memref.load %arg9[%get3A_1074, %get3A_1075] : memref<4x16xi32, #tpu.memory_space<smem>>
    %sub3A_1077 = arith.constant 4096 : i32
    %sub3A_1078 = arith.subi %sub3A_1077, %get3A_1076 : i32
    %sub3A_1079 = arith.constant 2 : i32
    %sub3A_1080 = arith.subi %sub3A_1078, %sub3A_1079 : i32
    %jit3A_1081 = arith.constant 1 : i32
    %jit3A_1082 = arith.constant 1228 : i32
    %max3A_1083 = arith.maxsi %jit3A_1081, %sub3A_1080 : i32
    %min3A_1084 = arith.minsi %jit3A_1082, %max3A_1083 : i32
    %add3A_1085 = arith.constant 640 : i32
    %add3A_1086 = vector.broadcast %add3A_1085 : i32 to vector<640x1xi32>
    %add3A_1087 = arith.addi %iota3A_512, %add3A_1086 : vector<640x1xi32>
    %lt3A_1088 = vector.broadcast %min3A_1084 : i32 to vector<640x1xi32>
    %lt3A_1089 = arith.cmpi slt, %add3A_1087, %lt3A_1088 : vector<640x1xi32>
    %jit3A_1090 = arith.constant 0xFF800000 : f32
    %broadcast_in_dim3A_1091 = vector.shape_cast %lt3A_1089 : vector<640x1xi1> to vector<640x1xi1>
    %broadcast_in_dim3A_1092 = vector.broadcast %broadcast_in_dim3A_1091 : vector<640x1xi1> to vector<640x1024xi1>
    %broadcast_in_dim3A_1093 = vector.broadcast %jit3A_1090 : f32 to vector<640x1024xf32>
    %select_n3A_1094 = arith.select %broadcast_in_dim3A_1092, %add3A_1073, %broadcast_in_dim3A_1093 : vector<640x1024xi1>, vector<640x1024xf32>
    %reduce_max3A_1095 = arith.constant dense<0xFF800000> : vector<1024xf32>
    %reduce_max3A_1096 = vector.multi_reduction <maximumf>, %select_n3A_1094, %reduce_max3A_1095 [0] : vector<640x1024xf32> to vector<1024xf32>
    %get3A_1097 = arith.constant 3 : index
    %get3A_1098 = arith.constant 0 : index
    %get3A_1099 = vector.load %arg10[%get3A_1097, %get3A_1098] : memref<4x1024xf32, #tpu.memory_space<vmem>>, vector<1x1024xf32>
    %get3A_1100 = vector.shape_cast %get3A_1099 : vector<1x1024xf32> to vector<1024xf32>
    %max3A_1101 = arith.maximumf %get3A_1100, %reduce_max3A_1096 : vector<1024xf32>
    %swap3A_1102 = arith.constant 3 : index
    %swap3A_1103 = arith.constant 0 : index
    %swap3A_1104 = vector.load %arg10[%swap3A_1102, %swap3A_1103] : memref<4x1024xf32, #tpu.memory_space<vmem>>, vector<1x1024xf32>
    %swap3A_1105 = vector.shape_cast %swap3A_1104 : vector<1x1024xf32> to vector<1024xf32>
    %swap3A_1106 = vector.shape_cast %max3A_1101 : vector<1024xf32> to vector<1x1024xf32>
    tpu.vector_store %arg10[%swap3A_1102, %swap3A_1103], %swap3A_1106 {strides = array<i32>} : memref<4x1024xf32, #tpu.memory_space<vmem>>, vector<1x1024xf32>,
    return
  }
}

</mosaic_0001>

<sc_bundles>
// kernel: kernel.4.cloned.1.call-start
scs
__scs_entry_jumppad:
0x0: {  	(pc) =	sbr.rel $0x88, $3  }
0x1: {  	(tag) =	ssettag $0x0;
	lr =	simm.s32 $0x1  }
0x2: {  	[smem:$0x3F97] =	sst lr;
	_ =	strace $0xD0000000  }
0x3: {  	_ = 	snop  }
0x4: {  	_ = 	snop  }
0x5: {  	_ = 	snop  }
0x6: {  	_ = 	snop  }
0x7: {  	_ = 	snop  }
__scs_overlays_trampoline_lowered:
0x8: {  	[smem:$0x3FA6] =	sst s0  }
0x9: {  	[smem:$0x3FA7] =	sst s1  }
0xa: {  	[smem:$0x3FA8] =	sst s2  }
0xb: {  	[smem:$0x3FA9] =	sst s3  }
0xc: {  	[smem:$0x3FAA] =	sst s4  }
0xd: {  	[smem:$0x3FAB] =	sst s5  }
0xe: {  	[smem:$0x3FAC] =	sst s6  }
0xf: {  	[smem:$0x3FAD] =	sst s7  }
0x10: {  	[smem:$0x3FAE] =	sst s8  }
0x11: {  	[smem:$0x3FAF] =	sst s9;
	s0 =	simm.s32 @!p0 $0x0  }
0x12: {  	s1 =	sld [smem:$0x3F95];
	s0 =	simm.s32 @p0 $0x1  }
0x13: {  	[smem:$0x3FB0] =	sst s0;
	s0 =	simm.s32 @!p1 $0x0  }
0x14: {  	s2 =	sld [smem:$0x3F94];
	s0 =	simm.s32 @p1 $0x1  }
0x15: {  	[smem:$0x3FB1] =	sst s0;
	s0 =	simm.s32 @!p2 $0x0  }
0x16: {  	s3 =	sld [smem:$0x3FDB];
	s0 =	simm.s32 @p2 $0x1  }
0x17: {  	s4 =	simm.s32 $0x1BF5;
	[smem:$0x3FB3] =	sst s0  }
0x18: {  	s0 =	sld [smem:$0x3F96];
	_ =	swait.ge [sflag:s4], $0x0  }
0x19: {  	s7 =	sld [smem:$0x3F97]  }
0x1a: {  	s8 =	sadd.s32 $0xFFFFE003, lr  }
0x1b: {  	s9 =	sadd.s32 $0xFFFFFEF7, lr;
	s5 =	simm.s32 $0xFFFFFFFF;
	p2 =	slt.u32 s8, $0xFFFFF086  }
0x1c: {  	p1 =	slt.u32 s9, $0xF7A;
	s5 =	simm.s32 @!p2 $0x0  }
0x1d: {  	s5 =	simm.s32 @p1 $0x1;
	p0 =	seq.s32 s7, s2  }
0x1e: {  	s7 =	smul.u32 @!p0 $0xF7A, s2;
	p2 =	seq.s32 @!p0 s5, $0x0  }
0x1f: {  	s9 =	smul.u32 $0xF7A, s1;
	s8 =	simm.s32 @!p0 $0x1BF5;
	p2 =	por !p2, p0  }
0x20: {  	[sflag:s8] =	ssyncset.s32 @!p0 $0xFFFFF086;
	s6 =	sadd.s32 @!p0 s3, s7;
	s7 =	simm.s32 @!p0 $0x108  }
0x21: {  	s3 =	sadd.s32 s3, s9;
	s6 =	sadd.s32 @!p0 $0x88, s6;
	s7 =	simm.s32 @p2 $0x1082  }
0x22: {  	[simem:s7], [sflag:s8] =	dma.local @!p0 [hbm:s6], $0xF7A  }
0x23: {  	s9 =	sor.u32 $0xD0000000, s2;
	s6 =	simm.s32 $0x108;
	_ =	swait.ge @!p0 [sflag:s8], $0x0  }
0x24: {  	s3 =	sadd.s32 $0x88, s3;
	s6 =	simm.s32 @!p1 $0x1082;
	[sflag:s4] =	ssyncset.s32 $0xFFFFF086  }
0x25: {  	[simem:s6], [sflag:s4] =	dma.local [hbm:s3], $0xF7A  }
0x26: {  	[smem:$0x3F97] =	sst s1;
	(tag) =	ssettag s2;
	_ =	strace s9  }
0x27: {  	s1 =	sld [smem:$0x3FA7]  }
0x28: {  	s2 =	sld [smem:$0x3FA8]  }
0x29: {  	s4 =	sld [smem:$0x3FAA]  }
0x2a: {  	p0 =	seq.s32 s5, $0x0;
	s5 =	sld [smem:$0x3FAB]  }
0x2b: {  	s6 =	sld [smem:$0x3FAC]  }
0x2c: {  	s7 =	sld [smem:$0x3FAD]  }
0x2d: {  	s3 =	simm.s32 $0x108;
	s8 =	sld [smem:$0x3FAE]  }
0x2e: {  	s3 =	simm.s32 @!p0 $0x1082;
	s9 =	sld [smem:$0x3FAF]  }
0x2f: {  	lr =	sadd.s32 s0, s3;
	s0 =	sld [smem:$0x3FA6]  }
0x30: {  	s3 =	sld [smem:$0x3FA9]  }
0x31: {  	[smem:$0x3FB2] =	sst s10  }
0x32: {  	s10 =	sld [smem:$0x3FB0];
	_ =	sdelay $0x3  }
0x33: {  	p0 =	seq.s32 s10, $0x1;
	s10 =	sld [smem:$0x3FB2];
	_ =	sdelay $0x3  }
0x34: {  	[smem:$0x3FB2] =	sst s10  }
0x35: {  	s10 =	sld [smem:$0x3FB1];
	_ =	sdelay $0x3  }
0x36: {  	p1 =	seq.s32 s10, $0x1;
	s10 =	sld [smem:$0x3FB2];
	_ =	sdelay $0x3  }
0x37: {  	[smem:$0x3FB2] =	sst s10  }
0x38: {  	s10 =	sld [smem:$0x3FB3]  }
0x39: {  	_ = 	snop;
	(pc) =	sbr.ind lr, $3  }
0x3a: {  	_ = 	snop  }
0x3b: {  	_ = 	snop  }
0x3c: {  	p2 =	seq.s32 s10, $0x1;
	s10 =	sld [smem:$0x3FB2]  }
0x3d: {  	_ =	shalt  }
0x3e: {  	_ =	shalt  }
0x3f: {  	_ =	shalt  }
0x40: {  	_ =	shalt  }
0x41: {  	_ =	shalt  }
0x42: {  	_ =	shalt  }
0x43: {  	_ =	shalt  }
0x44: {  	_ =	shalt  }
0x45: {  	_ =	shalt  }
0x46: {  	_ =	shalt  }
0x47: {  	_ =	shalt  }
0x48: {  	_ =	shalt  }
0x49: {  	_ =	shalt  }
0x4a: {  	_ =	shalt  }
0x4b: {  	_ =	shalt  }
0x4c: {  	_ =	shalt  }
0x4d: {  	_ =	shalt  }
0x4e: {  	_ =	shalt  }
0x4f: {  	_ =	shalt  }
0x50: {  	_ =	shalt  }
0x51: {  	_ =	shalt  }
0x52: {  	_ =	shalt  }
0x53: {  	_ =	shalt  }
0x54: {  	_ =	shalt  }
0x55: {  	_ =	shalt  }
0x56: {  	_ =	shalt  }
0x57: {  	_ =	shalt  }
0x58: {  	_ =	shalt  }
0x59: {  	_ =	shalt  }
0x5a: {  	_ =	shalt  }
0x5b: {  	_ =	shalt  }
0x5c: {  	_ =	shalt  }
0x5d: {  	_ =	shalt  }
0x5e: {  	_ =	shalt  }
0x5f: {  	_ =	shalt  }
0x60: {  	_ =	shalt  }
0x61: {  	_ =	shalt  }
0x62: {  	_ =	shalt  }
0x63: {  	_ =	shalt  }
0x64: {  	_ =	shalt  }
0x65: {  	_ =	shalt  }
0x66: {  	_ =	shalt  }
0x67: {  	_ =	shalt  }
0x68: {  	_ =	shalt  }
0x69: {  	_ =	shalt  }
0x6a: {  	_ =	shalt  }
0x6b: {  	_ =	shalt  }
0x6c: {  	_ =	shalt  }
0x6d: {  	_ =	shalt  }
0x6e: {  	_ =	shalt  }
0x6f: {  	_ =	shalt  }
0x70: {  	_ =	shalt  }
0x71: {  	_ =	shalt  }
0x72: {  	_ =	shalt  }
0x73: {  	_ =	shalt  }
0x74: {  	_ =	shalt  }
0x75: {  	_ =	shalt  }
0x76: {  	_ =	shalt  }
0x77: {  	_ =	shalt  }
0x78: {  	_ =	shalt  }
0x79: {  	_ =	shalt  }
0x7a: {  	_ =	shalt  }
0x7b: {  	_ =	shalt  }
0x7c: {  	_ =	shalt  }
0x7d: {  	_ =	shalt  }
0x7e: {  	_ =	shalt  }
0x7f: {  	_ =	shalt  }
0x80: {  	_ =	shalt  }
0x81: {  	_ =	shalt  }
0x82: {  	_ =	shalt  }
0x83: {  	_ =	shalt  }
0x84: {  	_ =	shalt  }
0x85: {  	_ =	shalt  }
0x86: {  	_ =	shalt  }
0x87: {  	_ =	shalt  }
.Lfunc_end0:
.L_simem_size_0:
called_computation_lowered:
.L_overlay_start_0:
0x88: {  	s2 =	sld [smem:$0x3FD9]  }
0x89: {  	s3 =	sld [smem:$0x3FFE];
	_ =	sdelay $0x1  }
0x8a: {  	s1 =	srdreg.scid  }
0x8b: {  	s0 =	sand.u32 $0x1, s1  }
0x8c: {  	s17 =	sshll.u32 s0, $0xA;
	s2 =	sadd.s32 s3, s2  }
0x8d: {  	s2 =	sadd.s32 s2, s17  }
0x8e: {  	[smem:$0x3FBE] =	sst s2  }
0x8f: {  	_ = 	snop  }
0x90: {  	s2 =	sld [smem:$0x3FC9];
	(tm) =	ssettm $0x1  }
0x91: {  	s18 =	sld [smem:$0x3FFB];
	_ =	sdelay $0x3  }
0x92: {  	_ =	strace s18  }
0x93: {  	s3 =	sld [smem:$0x3FFC];
	_ =	sdelay $0x3  }
0x94: {  	_ =	strace s3  }
0x95: {  	s3 =	sld [smem:$0x3FFD];
	_ =	sdelay $0x3  }
0x96: {  	_ =	strace s3  }
0x97: {  	_ =	strace $0x8FFFFFFF  }
0x98: {  	s19 =	sld [smem:$0x3FDB];
	_ =	sdelay $0x1  }
0x99: {  	s4 =	simm.s32 $_scs_section_size  }
0x9a: {  	s5 =	simm.s32 $_size__tile_overlayer_lowered;
	s6 =	simm.s32 $_tile_overlayer_lowered  }
0x9b: {  	s22 =	simm.s32 $0x1BFF;
	s21 =	sshll.u32 s6, $0x1;
	s3 =	sadd.s32 s4, s19  }
0x9c: {  	s7 =	simm.s32 $0x0;
	s20 =	sshll.u32 s5, $0x1;
	s5 =	sadd.s32 s21, s3  }
0x9d: {  	[timem:s7], [sflag:s22] =	dma.local [hbm:s5], s20  }
0x9e: {  	_ =	swait.ge [sflag:s22], s20  }
0x9f: {  	s4 =	ssub.s32 $0x0, s20;
	[sflag:s22] =	ssyncset.done $0x0  }
0xa0: {  	[sflag:s22] =	ssyncadd.s32 s4;
	_ =	sdelay $0x1  }
0xa1: {  	s23 =	simm.s32 $0x1B8B  }
0xa2: {  	_ =	swait.ge [sflag:s23], $0x1  }
0xa3: {  	[sflag:s23] =	ssyncset.done $0x0  }
0xa4: {  	s25 =	simm.s32 $0x1B8E;
	s24 =	sld [smem:$0x3FFE];
	[sflag:s23] =	ssyncadd.s32 $0xFFFFFFFF  }
0xa5: {  	s26 =	simm.s32 $execute0_lowered;
	[smem:$0x3FD2] =	sst s25  }
0xa6: {  	s5 =	sshll.u32 s26, $0x1;
	_ =	strace $0x80000046;
	[dreg:$0x1] =	wrdreg $0xFFFFFFFF  }
0xa7: {  	s28 =	simm.s32 $_size_execute0_lowered;
	s3 =	sadd.s32 s3, s5;
	[dreg:$0x0] =	wrdreg $0x0  }
0xa8: {  	s5 =	sshll.u32 s28, $0x1;
	[dreg:$0x2] =	wrdreg s3  }
0xa9: {  	[dreg:$0x3] =	wrdreg s5  }
0xaa: {  	[dreg:$0x4] =	wrdreg $0xC0  }
0xab: {  	_ =	task [dreg:s7], $0x5FFFF  }
0xac: {  	[dreg:$0x1] =	wrdreg $0xFFFFFFFF  }
0xad: {  	[dreg:$0x0] =	wrdreg $0x60  }
0xae: {  	[dreg:$0x2] =	wrdreg s24  }
0xaf: {  	[dreg:$0x3] =	wrdreg s2  }
0xb0: {  	[dreg:$0x4] =	wrdreg $0x9  }
0xb1: {  	_ =	task.clear_ibuf [dreg:s7], $0x5FFFF;
	_ =	strace $0x90000046  }
0xb2: {  	s29 =	simm.s32 $0x9;
	_ =	strace $0x80000048  }
0xb3: {  	_ =	swait.ge [sflag:s29], $0x1  }
0xb4: {  	[sflag:s29] =	ssyncadd.s32 $0xFFFFFFFF  }
0xb5: {  	_ =	strace $0x90000048  }
0xb6: {  	_ =	sfence  }
0xb7: {  	s30 =	sld [smem:$0x0];
	_ =	sdelay $0x2  }
0xb8: {  	s31 =	sshll.u32 s1, $0xD;
	s1 =	sshrl.u32 s1, $0x2  }
0xb9: {  	s3 =	sand.u32 $0x4000, s31;
	s1 =	sadd.s32 s1, s30  }
0xba: {  	s0 =	sor.u32 s3, s0;
	s1 =	sshll.u32 s1, $0x11  }
0xbb: {  	s0 =	sor.u32 s1, s0  }
0xbc: {  	s0 =	sadd.s32 $0x8F2B, s0  }
0xbd: {  	[sflag:s0] =	ssyncadd.remote.s32 $0x1  }
0xbe: {  	_ =	sfence.sel $0xFFFF  }
0xbf: {  	[dreg:$0x0] =	wrdreg $0xFFFFFFFF;
	(pc) =	sbr.abs _section_cstart, $3  }
0xc0: {  	[dreg:$0x1] =	wrdreg $0xFFFFFFFF  }
0xc1: {  	_ =	task.clear_ibuf [dreg:s7], $0x2FFFF;
	_ =	strace $0x9FFFFFFF  }
0xc2: {  	(tm) =	ssettm $0x7FFFFFFF  }
0xc3: {  	_ =	shalt  }
tec
execute0_lowered:
.L_overlay_start_1:
0x0: {  	(tag) =	ssettag $0x1  }
0x1: {  	s0 =	srdreg.scid  }
0x2: {  	s2 =	stileid.u32;
	s3 =	simm.s32 $0x1;
	s6 =	rddreg [dreg:$0x0]  }
0x3: {  	s4 =	simm.s32 $0x1;
	s15 =	simm.s32 $0x3;
	s16 =	simm.s32 $0x1000  }
0x4: {  	s17 =	simm.s32 $0x1100;
	s28 =	simm.s32 $0x6100;
	s29 =	simm.s32 $0x6900  }
0x5: {  	s30 =	simm.s32 $0x7100;
	s31 =	simm.s32 $0x7900;
	s0 =	sand.u32 $0x1, s0  }
0x6: {  	s18 =	simm.s32 $0x0;
	s5 =	sand.u32 $0x7, s2;
	s1 =	sshll.u32 s0, $0x4  }
0x7: {  	s11 =	sadd.s32 $0x1600, s6;
	p0 =	sne.s32 s5, $0x0;
	s1 =	sor.u32 s2, s1  }
0x8: {  	s0 =	ssub.s32 $0x2, s0;
	s5 =	smul.u32 $0xA0, s5;
	p1 =	seq.s32 s1, $0x0  }
0x9: {  	s2 =	rddreg [dreg:$0x1];
	s10 =	sshrl.u32 s0, $0x1;
	p1 =	por !p0, !p1  }
0xa: {  	s1 =	sshrl.u32 s1, $0x3;
	s0 =	ssub.s32 s0, s10;
	p1 =	por !p1, !p1  }
0xb: {  	s22 =	sadd.s32 $0xAF, s5;
	s10 =	simm.s32 $0xA900;
	s3 =	simm.s32 @!p1 $0x0  }
0xc: {  	s0 =	smax.u32 s0, $0x1;
	s1 =	ssub.s32 s1, s3;
	s3 =	simm.s32 $0x0  }
0xd: {  	s7 =	sshll.u32 s1, $0xC;
	[smem:$0x7FF] =	sst s3;
	s9 =	sshll.u32 s1, $0x4  }
0xe: {  	s1 =	smul.u32 $0x500, s1;
	_ =	strace $0x80000047;
	[dreg:$0x5] =	wrdreg s22  }
0xf: {  	v6 =	vlaneseq.u32;
	v0 =	vmov s5;
	s8 =	sshrl.u32 s7, $0x3;
	s9 =	sand.u32 $0x1FFFFFF0, s9;
	[dreg:$0xa] =	wrdreg s0  }
0x10: {  	v1 =	vxor.u32 $0xFFFFFFFF, v0;
	s22 =	simm.s32 $0x3900;
	v0 =	vor.u32 s7, v6;
	s0 =	simm.s32 $0x8900;
	s7 =	simm.s32 $0x9900  }
0x11: {  	s8 =	sadd.s32 s8, s6;
	s6 =	sadd.s32 s9, s6;
	s1 =	sadd.s32 s5, s1  }
0x12: {  	s9 =	sadd.s32 $0x100, s2;
	s8 =	sadd.s32 $0xE00, s8;
	s6 =	sadd.s32 $0x51600, s6  }
0x13: {  	s23 =	sshll.u32 s1, $0x6;
	s1 =	sshll.u32 s1, $0x9;
	[dreg:$0x3] =	wrdreg s8  }
0x14: {  	[dreg:$0x4] =	wrdreg s6;
	s6 =	sadd.s32 s11, s23;
	s24 =	sadd.s32 $0x5000, s1  }
0x15: {  	s25 =	sadd.s32 $0xA000, s1;
	s1 =	sadd.s32 $0xF000, s1;
	s23 =	simm.s32 $0x4100  }
0x16: {  	s8 =	simm.s32 $0xA100;
	[dreg:$0x6] =	wrdreg s6;
	s6 =	sshrl.u32 s24, $0x3  }
.Ltmp0:
0x17: {  	s26 =	sshrl.u32 s25, $0x3;
	s1 =	sshrl.u32 s1, $0x3;
	(pc) =	sbr.rel .LBB2_1-.Ltmp0, $4  }
0x18: {  	s24 =	simm.s32 $0x4900;
	s25 =	simm.s32 $0x5100;
	s6 =	sadd.s32 s11, s6  }
0x19: {  	v3 =	vimm.s32 $0x0;
	vm0 =	vmmov $0xffff;
	s1 =	sadd.s32 s11, s1;
	[dreg:$0x7] =	wrdreg s6;
	s6 =	sadd.s32 s11, s26  }
0x1a: {  	v2 =	vadd.s32 $0x1, v6;
	v4 =	vand.u32 $0x7, v6;
	v5 =	vshrl.u32 v6, $0x3;
	[dreg:$0x9] =	wrdreg s1;
	s26 =	simm.s32 $0x5900;
	s1 =	simm.s32 $0x8100  }
0x1b: {  	v5 =	vmul.u32 $0x8, v5;
	v1 =	vbroadcast v1, $0x0;
	v6 =	vor.u32 $0x8, v6;
	s11 =	simm.s32 $0x2;
	[dreg:$0x8] =	wrdreg s6;
	s6 =	simm.s32 $0x9100  }
.LBB2_11:
0x1c: {  	_ =	sdelay $0x4  }
0x1d: {  	[tilespmem:v9+s16+$0x0] =	vst.idx.msk vm1, v10  }
.LBB2_12:
0x1e: {  	v7 =	vld [tilespmem:$0x1000];
	_ =	sdelay $0x4  }
0x1f: {  	v8 =	vshll.u32 v7, $0x2  }
0x20: {  	v7 =	vand.u32 $0x7, v7;
	v8 =	vand.u32 $0xFFFFFFE0, v8  }
0x21: {  	v7 =	vor.u32 v7, v8  }
0x22: {  	v8 =	vperm.xlane v7, v4;
	_ =	sdelay $0x1  }
0x23: {  	v8 =	vadd.s32 v5, v8;
	_ =	sdelay $0x1  }
0x24: {  	v7 =	vperm.xlane v7, v6;
	_ =	sdelay $0x1  }
0x25: {  	v7 =	vadd.s32 v5, v7  }
0x26: {  	[tilespmem:s17], [sflag:$0x1] =	stream.indirect_vreg.gather [hbm4b:s2+s3], $0x80, v8, vm0, $0xb8;
	[tilespmem:$0xB180] =	vst v63  }
0x27: {  	s13 =	simm.s32 $0x1900  }
0x28: {  	[tilespmem:s13], [sflag:$0x1] =	stream.indirect_vreg.gather [hbm4b:s9+s3], $0x80, v8, vm0, $0xb8;
	[tilespmem:$0xB180] =	vst v63  }
0x29: {  	s14 =	simm.s32 $0x2100  }
0x2a: {  	[tilespmem:s14], [sflag:$0x1] =	stream.indirect_vreg.gather [hbm4b:s2+s3], $0x80, v7, vm0, $0xb8;
	[tilespmem:$0xB180] =	vst v63  }
0x2b: {  	s19 =	simm.s32 $0x2900  }
0x2c: {  	[tilespmem:s19], [sflag:$0x1] =	stream.indirect_vreg.gather [hbm4b:s9+s3], $0x80, v7, vm0, $0xb8;
	[tilespmem:$0xB180] =	vst v63  }
0x2d: {  	v7 =	vld [tilespmem:$0x1010];
	_ =	sdelay $0x4  }
0x2e: {  	v8 =	vshll.u32 v7, $0x2  }
0x2f: {  	v7 =	vand.u32 $0x7, v7;
	v8 =	vand.u32 $0xFFFFFFE0, v8  }
0x30: {  	v7 =	vor.u32 v7, v8  }
0x31: {  	v8 =	vperm.xlane v7, v4;
	_ =	sdelay $0x1  }
0x32: {  	v8 =	vadd.s32 v5, v8;
	_ =	sdelay $0x1  }
0x33: {  	v7 =	vperm.xlane v7, v6;
	_ =	sdelay $0x1  }
0x34: {  	s20 =	simm.s32 $0x3100;
	v7 =	vadd.s32 v5, v7  }
0x35: {  	[tilespmem:s20], [sflag:$0x1] =	stream.indirect_vreg.gather [hbm4b:s2+s3], $0x80, v8, vm0, $0xb8;
	[tilespmem:$0xB180] =	vst v63  }
0x36: {  	_ = 	snop  }
0x37: {  	[tilespmem:s22], [sflag:$0x1] =	stream.indirect_vreg.gather [hbm4b:s9+s3], $0x80, v8, vm0, $0xb8;
	[tilespmem:$0xB180] =	vst v63  }
0x38: {  	_ = 	snop  }
0x39: {  	[tilespmem:s23], [sflag:$0x1] =	stream.indirect_vreg.gather [hbm4b:s2+s3], $0x80, v7, vm0, $0xb8;
	[tilespmem:$0xB180] =	vst v63  }
0x3a: {  	_ = 	snop  }
0x3b: {  	[tilespmem:s24], [sflag:$0x1] =	stream.indirect_vreg.gather [hbm4b:s9+s3], $0x80, v7, vm0, $0xb8;
	[tilespmem:$0xB180] =	vst v63  }
0x3c: {  	v7 =	vld.msk [tilespmem:$0x1020], $0xff;
	_ =	sdelay $0x4  }
0x3d: {  	v8 =	vshll.u32 v7, $0x2  }
0x3e: {  	v7 =	vand.u32 $0x7, v7;
	v8 =	vand.u32 $0xFFFFFFE0, v8  }
0x3f: {  	v7 =	vor.u32 v7, v8  }
0x40: {  	v7 =	vperm.xlane v7, v4;
	_ =	sdelay $0x1  }
0x41: {  	v7 =	vadd.s32 v5, v7;
	_ =	sdelay $0x4  }
0x42: {  	[tilespmem:s25], [sflag:$0x1] =	stream.indirect_vreg.gather [hbm4b:s2+s3], $0x80, v7, vm0, $0xb8;
	[tilespmem:$0xB180] =	vst v63  }
0x43: {  	_ = 	snop  }
0x44: {  	[tilespmem:s26], [sflag:$0x1] =	stream.indirect_vreg.gather [hbm4b:s9+s3], $0x80, v7, vm0, $0xb8;
	[tilespmem:$0xB180] =	vst v63  }
0x45: {  	v7 =	vld [tilespmem:$0x1028];
	_ =	sdelay $0x4  }
0x46: {  	v8 =	vshll.u32 v7, $0x2  }
0x47: {  	v7 =	vand.u32 $0x7, v7;
	v8 =	vand.u32 $0xFFFFFFE0, v8  }
0x48: {  	v7 =	vor.u32 v7, v8  }
0x49: {  	v8 =	vperm.xlane v7, v4;
	_ =	sdelay $0x1  }
0x4a: {  	v8 =	vadd.s32 v5, v8;
	_ =	sdelay $0x1  }
0x4b: {  	v7 =	vperm.xlane v7, v6;
	_ =	sdelay $0x1  }
0x4c: {  	v7 =	vadd.s32 v5, v7  }
0x4d: {  	[tilespmem:s28], [sflag:$0x2] =	stream.indirect_vreg.gather [hbm4b:s2+s3], $0x80, v8, vm0, $0xb8;
	[tilespmem:$0xB180] =	vst v63  }
0x4e: {  	_ = 	snop  }
0x4f: {  	[tilespmem:s29], [sflag:$0x2] =	stream.indirect_vreg.gather [hbm4b:s9+s3], $0x80, v8, vm0, $0xb8;
	[tilespmem:$0xB180] =	vst v63  }
0x50: {  	_ = 	snop  }
0x51: {  	[tilespmem:s30], [sflag:$0x2] =	stream.indirect_vreg.gather [hbm4b:s2+s3], $0x80, v7, vm0, $0xb8;
	[tilespmem:$0xB180] =	vst v63  }
0x52: {  	_ = 	snop  }
0x53: {  	[tilespmem:s31], [sflag:$0x2] =	stream.indirect_vreg.gather [hbm4b:s9+s3], $0x80, v7, vm0, $0xb8;
	[tilespmem:$0xB180] =	vst v63  }
0x54: {  	v7 =	vld [tilespmem:$0x1038];
	_ =	sdelay $0x4  }
0x55: {  	v8 =	vshll.u32 v7, $0x2  }
0x56: {  	v7 =	vand.u32 $0x7, v7;
	v8 =	vand.u32 $0xFFFFFFE0, v8  }
0x57: {  	v7 =	vor.u32 v7, v8  }
0x58: {  	v8 =	vperm.xlane v7, v4;
	_ =	sdelay $0x1  }
0x59: {  	v8 =	vadd.s32 v5, v8;
	_ =	sdelay $0x1  }
0x5a: {  	v7 =	vperm.xlane v7, v6;
	_ =	sdelay $0x1  }
0x5b: {  	v7 =	vadd.s32 v5, v7  }
0x5c: {  	[tilespmem:s1], [sflag:$0x2] =	stream.indirect_vreg.gather [hbm4b:s2+s3], $0x80, v8, vm0, $0xb8;
	[tilespmem:$0xB180] =	vst v63  }
0x5d: {  	_ = 	snop  }
0x5e: {  	[tilespmem:s0], [sflag:$0x2] =	stream.indirect_vreg.gather [hbm4b:s9+s3], $0x80, v8, vm0, $0xb8;
	[tilespmem:$0xB180] =	vst v63  }
0x5f: {  	_ = 	snop  }
0x60: {  	[tilespmem:s6], [sflag:$0x2] =	stream.indirect_vreg.gather [hbm4b:s2+s3], $0x80, v7, vm0, $0xb8;
	[tilespmem:$0xB180] =	vst v63  }
0x61: {  	_ = 	snop  }
0x62: {  	[tilespmem:s7], [sflag:$0x2] =	stream.indirect_vreg.gather [hbm4b:s9+s3], $0x80, v7, vm0, $0xb8;
	[tilespmem:$0xB180] =	vst v63  }
0x63: {  	v7 =	vld.msk [tilespmem:$0x1048], $0xff;
	_ =	sdelay $0x4  }
0x64: {  	v8 =	vshll.u32 v7, $0x2  }
0x65: {  	v7 =	vand.u32 $0x7, v7;
	v8 =	vand.u32 $0xFFFFFFE0, v8  }
0x66: {  	v7 =	vor.u32 v7, v8  }
0x67: {  	v7 =	vperm.xlane v7, v4;
	_ =	sdelay $0x1  }
0x68: {  	v7 =	vadd.s32 v5, v7;
	_ =	sdelay $0x4  }
0x69: {  	[tilespmem:s8], [sflag:$0x2] =	stream.indirect_vreg.gather [hbm4b:s2+s3], $0x80, v7, vm0, $0xb8;
	[tilespmem:$0xB180] =	vst v63  }
0x6a: {  	_ = 	snop  }
0x6b: {  	[tilespmem:s10], [sflag:$0x2] =	stream.indirect_vreg.gather [hbm4b:s9+s3], $0x80, v7, vm0, $0xb8;
	[tilespmem:$0xB180] =	vst v63  }
0x6c: {  	_ =	swait.ge [sflag:s4], $0x5000  }
0x6d: {  	[sflag:s4] =	ssyncset.done $0x0  }
0x6e: {  	s12 =	rddreg [dreg:$0x6];
	[sflag:s4] =	ssyncadd.s32 $0xFFFFB000  }
0x6f: {  	[hbm4b:s12+s3] =	stream.linear.scatter [tilespmem:s17], [sflag:$0x3], $0x5000, $0x38;
	[tilespmem:$0xB180] =	vst v63  }
0x70: {  	_ =	swait.ge [sflag:s15], $0x5000  }
0x71: {  	[sflag:s15] =	ssyncset.done $0x0  }
0x72: {  	[sflag:s15] =	ssyncadd.s32 $0xFFFFB000  }
0x73: {  	v7 =	vld [tilespmem:$0x1050];
	_ =	sdelay $0x4  }
0x74: {  	v8 =	vshll.u32 v7, $0x2  }
0x75: {  	v7 =	vand.u32 $0x7, v7;
	v8 =	vand.u32 $0xFFFFFFE0, v8  }
0x76: {  	v7 =	vor.u32 v7, v8  }
0x77: {  	v8 =	vperm.xlane v7, v4;
	_ =	sdelay $0x1  }
0x78: {  	v8 =	vadd.s32 v5, v8;
	_ =	sdelay $0x1  }
0x79: {  	v7 =	vperm.xlane v7, v6;
	_ =	sdelay $0x1  }
0x7a: {  	v7 =	vadd.s32 v5, v7  }
0x7b: {  	[tilespmem:s17], [sflag:$0x1] =	stream.indirect_vreg.gather [hbm4b:s2+s3], $0x80, v8, vm0, $0xb8;
	[tilespmem:$0xB180] =	vst v63  }
0x7c: {  	_ = 	snop  }
0x7d: {  	[tilespmem:s13], [sflag:$0x1] =	stream.indirect_vreg.gather [hbm4b:s9+s3], $0x80, v8, vm0, $0xb8;
	[tilespmem:$0xB180] =	vst v63  }
0x7e: {  	_ = 	snop  }
0x7f: {  	[tilespmem:s14], [sflag:$0x1] =	stream.indirect_vreg.gather [hbm4b:s2+s3], $0x80, v7, vm0, $0xb8;
	[tilespmem:$0xB180] =	vst v63  }
0x80: {  	_ = 	snop  }
0x81: {  	[tilespmem:s19], [sflag:$0x1] =	stream.indirect_vreg.gather [hbm4b:s9+s3], $0x80, v7, vm0, $0xb8;
	[tilespmem:$0xB180] =	vst v63  }
0x82: {  	v7 =	vld [tilespmem:$0x1060];
	_ =	sdelay $0x4  }
0x83: {  	v8 =	vshll.u32 v7, $0x2  }
0x84: {  	v7 =	vand.u32 $0x7, v7;
	v8 =	vand.u32 $0xFFFFFFE0, v8  }
0x85: {  	v7 =	vor.u32 v7, v8  }
0x86: {  	v8 =	vperm.xlane v7, v4;
	_ =	sdelay $0x1  }
0x87: {  	v8 =	vadd.s32 v5, v8;
	_ =	sdelay $0x1  }
0x88: {  	v7 =	vperm.xlane v7, v6;
	_ =	sdelay $0x1  }
0x89: {  	v7 =	vadd.s32 v5, v7  }
0x8a: {  	[tilespmem:s20], [sflag:$0x1] =	stream.indirect_vreg.gather [hbm4b:s2+s3], $0x80, v8, vm0, $0xb8;
	[tilespmem:$0xB180] =	vst v63  }
0x8b: {  	_ = 	snop  }
0x8c: {  	[tilespmem:s22], [sflag:$0x1] =	stream.indirect_vreg.gather [hbm4b:s9+s3], $0x80, v8, vm0, $0xb8;
	[tilespmem:$0xB180] =	vst v63  }
0x8d: {  	_ = 	snop  }
0x8e: {  	[tilespmem:s23], [sflag:$0x1] =	stream.indirect_vreg.gather [hbm4b:s2+s3], $0x80, v7, vm0, $0xb8;
	[tilespmem:$0xB180] =	vst v63  }
0x8f: {  	_ = 	snop  }
0x90: {  	[tilespmem:s24], [sflag:$0x1] =	stream.indirect_vreg.gather [hbm4b:s9+s3], $0x80, v7, vm0, $0xb8;
	[tilespmem:$0xB180] =	vst v63  }
0x91: {  	v7 =	vld.msk [tilespmem:$0x1070], $0xff;
	_ =	sdelay $0x4  }
0x92: {  	v8 =	vshll.u32 v7, $0x2  }
0x93: {  	v7 =	vand.u32 $0x7, v7;
	v8 =	vand.u32 $0xFFFFFFE0, v8  }
0x94: {  	v7 =	vor.u32 v7, v8  }
0x95: {  	v7 =	vperm.xlane v7, v4;
	_ =	sdelay $0x1  }
0x96: {  	v7 =	vadd.s32 v5, v7;
	_ =	sdelay $0x4  }
0x97: {  	[tilespmem:s25], [sflag:$0x1] =	stream.indirect_vreg.gather [hbm4b:s2+s3], $0x80, v7, vm0, $0xb8;
	[tilespmem:$0xB180] =	vst v63  }
0x98: {  	_ = 	snop  }
0x99: {  	[tilespmem:s26], [sflag:$0x1] =	stream.indirect_vreg.gather [hbm4b:s9+s3], $0x80, v7, vm0, $0xb8;
	[tilespmem:$0xB180] =	vst v63  }
0x9a: {  	_ =	swait.ge [sflag:s11], $0x5000  }
0x9b: {  	[sflag:s11] =	ssyncset.done $0x0  }
0x9c: {  	s14 =	rddreg [dreg:$0x7];
	[sflag:s11] =	ssyncadd.s32 $0xFFFFB000  }
0x9d: {  	[hbm4b:s14+s3] =	stream.linear.scatter [tilespmem:s28], [sflag:$0x3], $0x5000, $0x38;
	[tilespmem:$0xB180] =	vst v63  }
0x9e: {  	_ =	swait.ge [sflag:s15], $0x5000  }
0x9f: {  	[sflag:s15] =	ssyncset.done $0x0  }
0xa0: {  	[sflag:s15] =	ssyncadd.s32 $0xFFFFB000  }
0xa1: {  	v7 =	vld [tilespmem:$0x1078];
	_ =	sdelay $0x4  }
0xa2: {  	v8 =	vshll.u32 v7, $0x2  }
0xa3: {  	v7 =	vand.u32 $0x7, v7;
	v8 =	vand.u32 $0xFFFFFFE0, v8  }
0xa4: {  	v7 =	vor.u32 v7, v8  }
0xa5: {  	v8 =	vperm.xlane v7, v4;
	_ =	sdelay $0x1  }
0xa6: {  	v8 =	vadd.s32 v5, v8;
	_ =	sdelay $0x1  }
0xa7: {  	v7 =	vperm.xlane v7, v6;
	_ =	sdelay $0x1  }
0xa8: {  	v7 =	vadd.s32 v5, v7  }
0xa9: {  	[tilespmem:s28], [sflag:$0x2] =	stream.indirect_vreg.gather [hbm4b:s2+s3], $0x80, v8, vm0, $0xb8;
	[tilespmem:$0xB180] =	vst v63  }
0xaa: {  	_ = 	snop  }
0xab: {  	[tilespmem:s29], [sflag:$0x2] =	stream.indirect_vreg.gather [hbm4b:s9+s3], $0x80, v8, vm0, $0xb8;
	[tilespmem:$0xB180] =	vst v63  }
0xac: {  	_ = 	snop  }
0xad: {  	[tilespmem:s30], [sflag:$0x2] =	stream.indirect_vreg.gather [hbm4b:s2+s3], $0x80, v7, vm0, $0xb8;
	[tilespmem:$0xB180] =	vst v63  }
0xae: {  	_ = 	snop  }
0xaf: {  	[tilespmem:s31], [sflag:$0x2] =	stream.indirect_vreg.gather [hbm4b:s9+s3], $0x80, v7, vm0, $0xb8;
	[tilespmem:$0xB180] =	vst v63  }
0xb0: {  	v7 =	vld [tilespmem:$0x1088];
	_ =	sdelay $0x4  }
0xb1: {  	v8 =	vshll.u32 v7, $0x2  }
0xb2: {  	v7 =	vand.u32 $0x7, v7;
	v8 =	vand.u32 $0xFFFFFFE0, v8  }
0xb3: {  	v7 =	vor.u32 v7, v8  }
0xb4: {  	v8 =	vperm.xlane v7, v4;
	_ =	sdelay $0x1  }
0xb5: {  	v8 =	vadd.s32 v5, v8;
	_ =	sdelay $0x1  }
0xb6: {  	v7 =	vperm.xlane v7, v6;
	_ =	sdelay $0x1  }
0xb7: {  	v7 =	vadd.s32 v5, v7  }
0xb8: {  	[tilespmem:s1], [sflag:$0x2] =	stream.indirect_vreg.gather [hbm4b:s2+s3], $0x80, v8, vm0, $0xb8;
	[tilespmem:$0xB180] =	vst v63  }
0xb9: {  	_ = 	snop  }
0xba: {  	[tilespmem:s0], [sflag:$0x2] =	stream.indirect_vreg.gather [hbm4b:s9+s3], $0x80, v8, vm0, $0xb8;
	[tilespmem:$0xB180] =	vst v63  }
0xbb: {  	_ = 	snop  }
0xbc: {  	[tilespmem:s6], [sflag:$0x2] =	stream.indirect_vreg.gather [hbm4b:s2+s3], $0x80, v7, vm0, $0xb8;
	[tilespmem:$0xB180] =	vst v63  }
0xbd: {  	_ = 	snop  }
0xbe: {  	[tilespmem:s7], [sflag:$0x2] =	stream.indirect_vreg.gather [hbm4b:s9+s3], $0x80, v7, vm0, $0xb8;
	[tilespmem:$0xB180] =	vst v63  }
0xbf: {  	v7 =	vld.msk [tilespmem:$0x1098], $0xff;
	_ =	sdelay $0x4  }
0xc0: {  	v8 =	vshll.u32 v7, $0x2  }
0xc1: {  	v7 =	vand.u32 $0x7, v7;
	v8 =	vand.u32 $0xFFFFFFE0, v8  }
0xc2: {  	v7 =	vor.u32 v7, v8  }
0xc3: {  	v7 =	vperm.xlane v7, v4;
	_ =	sdelay $0x1  }
0xc4: {  	v7 =	vadd.s32 v5, v7;
	_ =	sdelay $0x4  }
0xc5: {  	[tilespmem:s8], [sflag:$0x2] =	stream.indirect_vreg.gather [hbm4b:s2+s3], $0x80, v7, vm0, $0xb8;
	[tilespmem:$0xB180] =	vst v63  }
0xc6: {  	_ = 	snop  }
0xc7: {  	[tilespmem:s10], [sflag:$0x2] =	stream.indirect_vreg.gather [hbm4b:s9+s3], $0x80, v7, vm0, $0xb8;
	[tilespmem:$0xB180] =	vst v63  }
0xc8: {  	_ =	swait.ge [sflag:s4], $0x5000  }
0xc9: {  	[sflag:s4] =	ssyncset.done $0x0  }
0xca: {  	s19 =	rddreg [dreg:$0x8];
	[sflag:s4] =	ssyncadd.s32 $0xFFFFB000  }
0xcb: {  	[hbm4b:s19+s3] =	stream.linear.scatter [tilespmem:s17], [sflag:$0x3], $0x5000, $0x38;
	[tilespmem:$0xB180] =	vst v63  }
0xcc: {  	_ =	swait.ge [sflag:s15], $0x5000  }
0xcd: {  	[sflag:s15] =	ssyncset.done $0x0  }
0xce: {  	[sflag:s15] =	ssyncadd.s32 $0xFFFFB000  }
0xcf: {  	_ =	swait.ge [sflag:s11], $0x5000  }
0xd0: {  	[sflag:s11] =	ssyncset.done $0x0  }
0xd1: {  	s20 =	rddreg [dreg:$0x9];
	[sflag:s11] =	ssyncadd.s32 $0xFFFFB000  }
0xd2: {  	[hbm4b:s20+s3] =	stream.linear.scatter [tilespmem:s28], [sflag:$0x3], $0x5000, $0x38;
	[tilespmem:$0xB180] =	vst v63  }
0xd3: {  	_ =	swait.ge [sflag:s15], $0x5000  }
0xd4: {  	s18 =	sadd.s32 $0x1, s18;
	s21 =	rddreg [dreg:$0xa]  }
0xd5: {  	p1 =	sne.s32 s18, s21  }
.Ltmp1:
0xd6: {  	_ = 	snop;
	(pc) =	sbr.rel @!p1 .LBB2_13-.Ltmp1, $3  }
0xd7: {  	_ =	sdelay $0x1  }
0xd8: {  	[sflag:s15] =	ssyncset.done $0x0  }
0xd9: {  	[sflag:s15] =	ssyncadd.s32 $0xFFFFB000  }
.LBB2_1:
0xda: {  	s12 =	rddreg [dreg:$0x3]  }
0xdb: {  	[tilespmem:s3], [sflag:$0x3] =	stream.linear.gather [hbm4b:s12+s3], $0x1000, $0x38;
	[tilespmem:$0xB180] =	vst v63  }
0xdc: {  	_ =	swait.ge [sflag:s15], $0x1000  }
0xdd: {  	[sflag:s15] =	ssyncset.done $0x0  }
0xde: {  	s13 =	simm.s32 $0x0;
	[sflag:s15] =	ssyncadd.s32 $0xFFFFF000  }
0xdf: {  	v7 =	vimm.s32 $0x0;
	s12 =	simm.s32 $0x40;
	v8 =	vld [tilespmem:s13+$0x0]  }
.LBB2_2:
0xe0: {  	_ =	sdelay $0x1  }
0xe1: {  	p1 =	sne.s32 s12, $0x3FC0  }
.Ltmp2:
0xe2: {  	_ = 	snop;
	(pc) =	sbr.rel @p1 .LBB2_2-.Ltmp2, $4  }
0xe3: {  	vm1 =	veq.s32 v8, $0x0  }
0xe4: {  	v9 =	vmpcnt.ones.xlane vm1  }
0xe5: {  	s13 =	sshra.s32 s12, $0x2  }
0xe6: {  	s12 =	sadd.s32 $0x40, s12;
	v8 =	vld [tilespmem:s13+$0x0];
	v7 =	vadd.s32 v7, v9  }
0xe7: {  	_ =	sdelay $0x3  }
0xe8: {  	vm1 =	veq.s32 v8, $0x0  }
0xe9: {  	v8 =	vmpcnt.ones.xlane vm1;
	_ =	sdelay $0x1  }
0xea: {  	v7 =	vadd.s32 v7, v8  }
0xeb: {  	s12 =	simm.s32 @!p0 $0x0;
	s13 =	simm.s32 @!p0 $0xB100;
	s14 =	rddreg [dreg:$0x4];
	[tilespmem:$0xB100] =	vst @!p0 v7  }
0xec: {  	[hbm4b:s14+s12] =	stream.linear.scatter @!p0 [tilespmem:s13], [sflag:$0x3], $0x80, $0x38;
	[tilespmem:$0xB180] =	vst v63  }
0xed: {  	s14 =	simm.s32 @!p0 $0x3  }
0xee: {  	_ =	swait.ge @!p0 [sflag:s14], $0x80  }
0xef: {  	(v2sf) =	vpush v7, $0x0;
	_ =	sdelay $0xe  }
0xf0: {  	s20 =	rddreg [dreg:$0x5];
	s12 =	spop (v2sf)  }
0xf1: {  	s13 =	sadd.s32 s12, s20  }
0xf2: {  	s19 =	sand.u32 $0xF, s13  }
0xf3: {  	s21 =	sshra.s32 s13, $0x1F;
	p2 =	slt.s32 s13, $0x1;
	p1 =	sne.s32 s19, $0x0  }
0xf4: {  	s19 =	sshrl.u32 s21, $0x1C;
	p1 =	por !p2, !p1  }
0xf5: {  	s13 =	sadd.s32 s19, s13;
	s19 =	simm.s32 $0x1;
	p1 =	por !p1, !p1  }
0xf6: {  	s13 =	sshra.s32 s13, $0x4;
	s19 =	simm.s32 @!p1 $0x0  }
0xf7: {  	s13 =	ssub.s32 s13, s19  }
0xf8: {  	p2 =	slt.s32 s13, $0x1  }
.Ltmp3:
0xf9: {  	_ = 	snop;
	(pc) =	sbr.rel @p2 .LBB2_4-.Ltmp3, $3  }
0xfa: {  	_ =	sdelay $0x1  }
0xfb: {  	[sflag:s14] =	ssyncset.done @!p0 $0x0;
	p1 =	slt.s32 s13, $0x100;
	s19 =	smov.u32 s13  }
0xfc: {  	v7 =	vadd.s32 v2, v7;
	[sflag:s14] =	ssyncadd.s32 @!p0 $0xFFFFFF80;
	s19 =	simm.s32 @!p1 $0x100  }
0xfd: {  	s20 =	simm.s32 $0x0  }
0xfe: {  	v8 =	vld [tilespmem:s20+$0x0];
	_ =	sdelay $0x4  }
0xff: {  	vm1 =	veq.s32 v8, $0x0  }
0x100: {  	v8 =	vsel vm1, $0x1, v3  }
0x101: {  	(xrf0) =	vadd.scan.msk.s32 $0xffff, v8;
	_ =	sdelay $0x5  }
0x102: {  	v8 =	vimm.s32 $0x0;
	v9, _, _ =	vpop (xrf0)  }
0x103: {  	v10 =	vadd.s32 s20, v7;
	v9 =	vadd.s32 v8, v9  }
0x104: {  	v10 =	vsub.s32 v10, v9  }
0x105: {  	v9 =	vsel vm1, v9, v10  }
0x106: {  	v10 =	vmpcnt.ones.xlane vm1;
	v9 =	vadd.s32 v1, v9  }
0x107: {  	vm1 =	vgt.s32 v9, $0x0  }
0x108: {  	p1 =	sne.s32 s19, $0x1;
	v8 =	vadd.s32 v8, v10;
	v10 =	vnsel vm1, $0x0, v9;
	vm1 =	vlt.u32 v9, $0xA0  }
.Ltmp4:
0x109: {  	v9 =	vmin.u32 v10, $0x9F;
	(pc) =	sbr.rel @!p1 .LBB2_7-.Ltmp4, $2  }
0x10a: {  	_ =	sdelay $0x2  }
0x10b: {  	s14 =	sadd.s32 $0xFFFFFFFF, s19;
	s21 =	simm.s32 $0x0;
	v10 =	vadd.s32 s20, v0  }
.LBB2_6:
0x10c: {  	p1 =	sne.s32 s14, $0x1;
	[tilespmem:v9+s16+$0x0] =	vst.idx.msk vm1, v10;
	s20 =	sadd.s32 $0x10, s20;
	s21 =	sadd.s32 $0x10, s21;
	v9 =	vmov v8  }
0x10d: {  	s14 =	sadd.s32 $0xFFFFFFFF, s14;
	v10 =	vld [tilespmem:s20+$0x0];
	_ =	sdelay $0x4  }
0x10e: {  	vm1 =	veq.s32 v10, $0x0  }
0x10f: {  	v10 =	vsel vm1, $0x1, v3;
	v11 =	vmpcnt.ones.xlane vm1  }
0x110: {  	(xrf0) =	vadd.scan.msk.s32 $0xffff, v10  }
0x111: {  	v8 =	vadd.s32 v8, v11;
	_ =	sdelay $0x4  }
0x112: {  	v10, _, _ =	vpop (xrf0)  }
0x113: {  	v9 =	vadd.s32 v9, v10;
	v10 =	vadd.s32 s21, v7  }
0x114: {  	v10 =	vsub.s32 v10, v9  }
0x115: {  	v9 =	vsel vm1, v9, v10  }
0x116: {  	v9 =	vadd.s32 v1, v9  }
0x117: {  	vm2 =	vgt.s32 v9, $0x0  }
0x118: {  	vm1 =	vlt.u32 v9, $0xA0;
	v9 =	vnsel vm2, $0x0, v9  }
.Ltmp5:
0x119: {  	v9 =	vmin.u32 v9, $0x9F;
	(pc) =	sbr.rel @p1 .LBB2_6-.Ltmp5, $2  }
0x11a: {  	_ =	sdelay $0x2  }
0x11b: {  	v10 =	vadd.s32 s21, v0  }
.LBB2_7:
0x11c: {  	_ = 	snop  }
.Ltmp6:
0x11d: {  	_ = 	snop;
	(pc) =	sbr.rel .LBB2_8-.Ltmp6, $2  }
0x11e: {  	_ =	sdelay $0x2  }
0x11f: {  	[tilespmem:v9+s16+$0x0] =	vst.idx.msk vm1, v10  }
.LBB2_4:
0x120: {  	v8 =	vimm.s32 $0x0  }
.LBB2_8:
0x121: {  	p1 =	sle.s32 s12, s5  }
0x122: {  	p2 =	sgt.s32 @!p1 s13, $0xFF  }
0x123: {  	p1 =	por p1, p2  }
.Ltmp7:
0x124: {  	_ = 	snop;
	(pc) =	sbr.rel @p1 .LBB2_12-.Ltmp7, $1  }
0x125: {  	_ =	sdelay $0x3  }
0x126: {  	s12 =	sshll.u32 s19, $0x6  }
0x127: {  	s12 =	sshra.s32 s12, $0x2  }
0x128: {  	v9 =	vld [tilespmem:s12+$0x0];
	_ =	sdelay $0x4  }
0x129: {  	vm1 =	veq.s32 v9, $0x0  }
0x12a: {  	v9 =	vsel vm1, $0x1, v3  }
0x12b: {  	(xrf0) =	vadd.scan.msk.s32 $0xffff, v9;
	_ =	sdelay $0x5  }
0x12c: {  	s13 =	sshll.u32 s19, $0x4;
	v9, _, _ =	vpop (xrf0)  }
0x12d: {  	v10 =	vadd.s32 s13, v7;
	v9 =	vadd.s32 v8, v9  }
0x12e: {  	v10 =	vsub.s32 v10, v9  }
0x12f: {  	v9 =	vsel vm1, v9, v10  }
0x130: {  	v10 =	vmpcnt.ones.xlane vm1;
	v9 =	vadd.s32 v1, v9  }
0x131: {  	s14 =	ssub.s32 $0x100, s19;
	vm1 =	vgt.s32 v9, $0x0  }
0x132: {  	p1 =	sne.s32 s14, $0x1;
	v8 =	vadd.s32 v8, v10;
	v10 =	vnsel vm1, $0x0, v9;
	vm1 =	vlt.u32 v9, $0xA0  }
.Ltmp8:
0x133: {  	v9 =	vmin.u32 v10, $0x9F;
	(pc) =	sbr.rel @!p1 .LBB2_11-.Ltmp8, $2  }
0x134: {  	_ =	sdelay $0x2  }
0x135: {  	s14 =	sadd.s32 $0xFFFFFFFF, s14;
	v10 =	vadd.s32 s13, v0  }
.LBB2_10:
0x136: {  	p1 =	sne.s32 s14, $0x1;
	[tilespmem:v9+s16+$0x0] =	vst.idx.msk vm1, v10;
	s12 =	sadd.s32 $0x10, s12;
	s13 =	sadd.s32 $0x10, s13;
	v9 =	vmov v8  }
0x137: {  	s14 =	sadd.s32 $0xFFFFFFFF, s14;
	v10 =	vld [tilespmem:s12+$0x0];
	_ =	sdelay $0x4  }
0x138: {  	vm1 =	veq.s32 v10, $0x0  }
0x139: {  	v10 =	vsel vm1, $0x1, v3;
	v11 =	vmpcnt.ones.xlane vm1  }
0x13a: {  	(xrf0) =	vadd.scan.msk.s32 $0xffff, v10  }
0x13b: {  	v8 =	vadd.s32 v8, v11;
	_ =	sdelay $0x4  }
0x13c: {  	v10, _, _ =	vpop (xrf0)  }
0x13d: {  	v9 =	vadd.s32 v9, v10;
	v10 =	vadd.s32 s13, v7  }
0x13e: {  	v10 =	vsub.s32 v10, v9  }
0x13f: {  	v9 =	vsel vm1, v9, v10  }
0x140: {  	v9 =	vadd.s32 v1, v9  }
0x141: {  	vm2 =	vgt.s32 v9, $0x0  }
0x142: {  	vm1 =	vlt.u32 v9, $0xA0;
	v9 =	vnsel vm2, $0x0, v9  }
.Ltmp9:
0x143: {  	v9 =	vmin.u32 v9, $0x9F;
	(pc) =	sbr.rel @p1 .LBB2_10-.Ltmp9, $2  }
0x144: {  	_ =	sdelay $0x2  }
0x145: {  	v10 =	vadd.s32 s13, v0  }
.Ltmp10:
0x146: {  	_ = 	snop;
	(pc) =	sbr.rel .LBB2_11-.Ltmp10, $1  }
0x147: {  	_ =	sdelay $0x3  }
.LBB2_13:
0x148: {  	_ =	sfence.sel $0x180000  }
0x149: {  	[bflag:$0x0] =	sbarrier.arrive $0xFFFF  }
0x14a: {  	_ =	strace $0x90000047  }
0x14b: {  	s0 =	stileid.u32;
	[bflag:$0x2] =	sbarrier.arrive $0xFFFF  }
0x14c: {  	p0 =	sne.s32 s0, $0x0;
	s0 =	rddreg [dreg:$0x2]  }
0x14d: {  	s0 =	sadd.s32 @!p0 $0x100000, s0  }
0x14e: {  	[sflag:s0] =	ssyncadd.tile.s32 @!p0 $0x1;
	_ =	shalt  }
.Lfunc_end2:
_tile_overlayer_lowered:
.L_overlay_start_2:
0x14f: {  	(tag) =	ssettag $0x2  }
0x150: {  	s0 =	rddreg [dreg:$0x0];
	s2 =	stileid.u32  }
0x151: {  	s1 =	rddreg [dreg:$0x1];
	p0 =	sne.s32 s2, $0x0  }
0x152: {  	s3 =	rddreg [dreg:$0x2];
	[bflag:$0x3] =	sbarrier.arrive $0xFFFF;
	s2 =	simm.s32 @!p0 $0x1C03  }
0x153: {  	[timem:s3], [sflag:s2] =	dma.local @!p0 [hbm:s0], s1  }
0x154: {  	s0 =	simm.s32 @!p0 $0x3  }
0x155: {  	_ =	swait.ge @!p0 [sflag:s0], s1  }
0x156: {  	s1 =	ssub.s32 @!p0 $0x0, s1;
	[sflag:s0] =	ssyncset.done @!p0 $0x0  }
0x157: {  	[sflag:s0] =	ssyncadd.s32 @!p0 s1  }
0x158: {  	[bflag:$0x3] =	sbarrier.arrive $0xFFFF  }
0x159: {  	_ =	shalt  }

</sc_bundles>
